<compile_context>
chip_gen: v7x
topology: tpu7x:2x2x1
jax: 0.10.2.dev20260603
libtpu: 0.0.44.dev20260713+nightly
codegen_flags: <defaults>
</compile_context>

<pallas_src>
import functools

import jax
import jax.numpy as jnp
from jax import lax
from jax.experimental import pallas as pl
from jax.experimental.pallas import tpu as pltpu
from jax.experimental.pallas import tpu_sc as plsc

_B, _C, _H, _W = 8, 8, 512, 512
_NC, _NS, _L = 2, 16, 16
_NW = _NC * _NS
_WPB = _NW // _B

_TC_ROWS = 384
_VPR = _W // _L

_MIN_KEPT = 10000
_THRESH_X = 0.84729786
_LOG_COEF = (-1.7367598, 2.8069806, -1.4551948, 0.44050273, -0.055459313)


def _bce_step(xv, tv, i, al, ac, tau):
    row = i // _VPR
    col = (i % _VPR) * _L
    x = xv[row, pl.ds(col, _L)]
    t = tv[row, pl.ds(col, _L)]
    r = jnp.where(t == 1, -x, x)
    w = 1.0 + jnp.exp(-jnp.abs(x))
    p = jnp.full((_L,), _LOG_COEF[4], jnp.float32)
    for k in range(3, -1, -1):
        p = p * w + _LOG_COEF[k]
    l = jnp.maximum(r, 0.0) + p
    kept = r >= -_THRESH_X
    if tau is not None:
        kept = jnp.logical_or(kept, jnp.abs(x) <= tau)
    al = al + jnp.where(kept, l, 0.0)
    ac = ac + jnp.where(kept, 1.0, 0.0)
    return al, ac


def _make_sc_bce(row0, nrows, with_tau, sub):
    rows_per_w = nrows // _WPB
    nsub = rows_per_w // sub
    vecs = sub * _VPR

    def body(*refs):
        if with_tau:
            (x_hbm, t_hbm, tau_hbm, out_hbm,
             xv0, tv0, xv1, tv1, tauv, ol_v, oc_v, sem0, sem1) = refs
        else:
            (x_hbm, t_hbm, out_hbm,
             xv0, tv0, xv1, tv1, ol_v, oc_v, sem0, sem1) = refs
        wid = lax.axis_index("s") * _NC + lax.axis_index("c")
        b = wid // _WPB
        r0 = row0 + (wid % _WPB) * rows_per_w

        if with_tau:
            pltpu.sync_copy(tau_hbm, tauv)
            tau = tauv[...]
        else:
            tau = None

        bufs = ((xv0, tv0, sem0), (xv1, tv1, sem1))

        def start(s, buf):
            xv, tv, sem = buf
            r = r0 + s * sub
            cx = pltpu.async_copy(x_hbm.at[b, 0, pl.ds(r, sub), :], xv, sem)
            ct = pltpu.async_copy(t_hbm.at[b, 0, pl.ds(r, sub), :], tv, sem)
            return cx, ct

        pend = start(0, bufs[0])
        accl = jnp.zeros((_L,), jnp.float32)
        accc = jnp.zeros((_L,), jnp.float32)
        for s in range(nsub):
            cur = pend
            if s + 1 < nsub:
                pend = start(s + 1, bufs[(s + 1) % 2])
            for c in cur:
                c.wait()
            xv, tv, _ = bufs[s % 2]

            @plsc.parallel_loop(0, vecs, 1, unroll=8, carry=(accl, accc))
            def _loop(i, carry):
                return _bce_step(xv, tv, i, *carry, tau)

            accl, accc = _loop

        ol_v[...] = accl
        oc_v[...] = accc
        pltpu.sync_copy(ol_v, out_hbm.at[wid, 0])
        pltpu.sync_copy(oc_v, out_hbm.at[wid, 1])

    scratch = [pltpu.VMEM((sub, _W), jnp.float32),
               pltpu.VMEM((sub, _W), jnp.int32),
               pltpu.VMEM((sub, _W), jnp.float32),
               pltpu.VMEM((sub, _W), jnp.int32)]
    if with_tau:
        scratch.append(pltpu.VMEM((_L,), jnp.float32))
    scratch += [pltpu.VMEM((_L,), jnp.float32), pltpu.VMEM((_L,), jnp.float32),
                pltpu.SemaphoreType.DMA, pltpu.SemaphoreType.DMA]
    return pl.kernel(
        body,
        out_type=jax.ShapeDtypeStruct((_NW, 2, _L), jnp.float32),
        mesh=plsc.VectorSubcoreMesh(core_axis_name="c", subcore_axis_name="s"),
        scratch_types=scratch,
    )


_sc_bce_main = _make_sc_bce(_TC_ROWS, _H - _TC_ROWS, with_tau=False, sub=16)
_sc_bce_tau_full = _make_sc_bce(0, _H, with_tau=True, sub=32)


def _tc_body(x_ref, t_ref, o_ref):
    x = x_ref[0, 0]
    t = t_ref[0, 0]
    r = jnp.where(t == 1, -x, x)
    l = jnp.maximum(r, 0.0) + jnp.log1p(jnp.exp(-jnp.abs(x)))
    kept = r >= -_THRESH_X
    s_l = jnp.sum(jnp.where(kept, l, 0.0))
    s_c = jnp.sum(jnp.where(kept, 1.0, 0.0))
    o_ref[0] = jnp.stack([s_l, s_c]).reshape(1, 2)


_tc_bce = pl.pallas_call(
    _tc_body,
    grid=(_B,),
    in_specs=[
        pl.BlockSpec((1, 1, _TC_ROWS, _W), lambda b: (b, 0, 0, 0)),
        pl.BlockSpec((1, 1, _TC_ROWS, _W), lambda b: (b, 0, 0, 0)),
    ],
    out_specs=pl.BlockSpec((1, 1, 2), lambda b: (b, 0, 0)),
    out_shape=jax.ShapeDtypeStruct((_B, 1, 2), jnp.float32),
)


def kernel(input, target):
    sc_part = _sc_bce_main(input, target)
    tc_part = _tc_bce(input, target)
    sum_l = jnp.sum(sc_part[:, 0, :]) + jnp.sum(tc_part[:, 0, 0])
    cnt = jnp.sum(sc_part[:, 1, :]) + jnp.sum(tc_part[:, 0, 1])
    return 7.0 * sum_l / jnp.maximum(cnt, 1.0)

# --- scband reference (transcript-rebuilt; emitter-appended) ---
"""Pipeline reference for scband-hybrid-ohembceloss-19146964206144 (READ-ONLY COPY).

The authoritative reference and input builder live on the scoring server;
editing this copy changes nothing except your own understanding.
"""

import jax, jax.numpy as jnp
import numpy as np

THRESH = 0.7
MIN_KEPT = 10000


def setup_inputs(seed: int = 0) -> dict:
    key = jax.random.key(seed)
    k1, k2 = jax.random.split(key)
    x = jax.random.normal(k1, (8, 8, 512, 512), dtype=jnp.float32)
    target = jax.random.randint(k2, (8, 8, 512, 512), 0, 2, dtype=jnp.int32)
    return {"input": x, "target": target}


def _bce_with_logits(logits, labels):
    # numerically stable elementwise BCEWithLogits: max(x,0) - x*z + log1p(exp(-|x|))
    return jnp.maximum(logits, 0.0) - logits * labels + jnp.log1p(jnp.exp(-jnp.abs(logits)))


def reference(input, target):
    losses = jnp.float32(0.0)
    C = input.shape[1]
    for i in range(1, C):
        ch = jnp.array([0, i])
        class_wise_input = input[:, ch, :, :]
        class_wise_target = target[:, ch, :, :]
        probs = jax.nn.sigmoid(class_wise_input)[:, 0, :, :].astype(jnp.float32)
        ygt = class_wise_target[:, 0, :, :].astype(jnp.float32)
        # kept_flag starts all-False; set per OHEM rule on positive/negative pixels
        kept = jnp.where(ygt == 1, probs <= THRESH,
                         jnp.where(ygt == 0, probs >= 1.0 - THRESH, False))
        count = jnp.sum(kept)
        # fallback: if too few kept, force-keep the min_kept hardest examples (|p-0.5| smallest)
        flat = jnp.abs(probs - 0.5).reshape(-1)
        hardest = jnp.argsort(flat)[:MIN_KEPT]
        hard_mask = jnp.zeros(flat.shape, dtype=bool).at[hardest].set(True).reshape(kept.shape)
        kept = jnp.where(count < MIN_KEPT, kept | hard_mask, kept)
        kept_f = jax.lax.stop_gradient(kept.astype(jnp.float32))
        logits0 = class_wise_input[:, 0, :, :]
        l = _bce_with_logits(logits0, ygt)
        # BCEWithLogitsLoss(mean) over the kept pixels
        losses = losses + jnp.sum(l * kept_f) / jnp.maximum(jnp.sum(kept_f), 1.0)
    return losses

if __name__ == "__main__":
    import jax
    _d = setup_inputs()
    print(jax.jit(kernel)(*tuple(_d.values())))

</pallas_src>

<mosaic_0001>
#map = affine_map<(d0, d1) -> (0, 0, 0, 0)>
#map1 = affine_map<(d0, d1) -> (0, 0, 0)>
module attributes {stable_mosaic.version = 14 : i64} {
  func.func @body(%arg0: i32, %arg1: i32, %arg2: memref<8x8x512x512xf32, #tpu.memory_space<hbm>>, %arg3: memref<8x8x512x512xi32, #tpu.memory_space<hbm>>, %arg4: memref<32x2x16xf32, #tpu.memory_space<hbm>>, %arg5: memref<16x512xf32, #tpu.memory_space<vmem>>, %arg6: memref<16x512xi32, #tpu.memory_space<vmem>>, %arg7: memref<16x512xf32, #tpu.memory_space<vmem>>, %arg8: memref<16x512xi32, #tpu.memory_space<vmem>>, %arg9: memref<16xf32, #tpu.memory_space<vmem>>, %arg10: memref<16xf32, #tpu.memory_space<vmem>>, %arg11: memref<!tpu.dma_semaphore, #tpu.memory_space<semaphore_mem>>, %arg12: memref<!tpu.dma_semaphore, #tpu.memory_space<semaphore_mem>>) attributes {dimension_semantics = [#tpu.dimension_semantics<core_parallel>, #tpu.dimension_semantics<subcore_parallel>], iteration_bounds = array<i64: 2, 16>, scalar_prefetch = 0 : i64, scratch_operands = 8 : i64, tpu.core_type = #tpu.core_type<sc_vector_subcore>, window_params = [{transform_indices = #map}, {transform_indices = #map}, {transform_indices = #map1}]} {
    %mul3A = arith.constant 2 : i32
    %mul3A_0 = arith.muli %arg1, %mul3A : i32
    %add3A = arith.addi %mul3A_0, %arg0 : i32
    %jit3A = arith.constant 4 : i32
    %div3A = arith.divsi %add3A, %jit3A : i32
    %sign3A = arith.constant 0 : i32
    %sign3A_1 = arith.cmpi sgt, %add3A, %sign3A : i32
    %sign3A_2 = arith.extui %sign3A_1 : i1 to i32
    %sign3A_3 = arith.constant 0 : i32
    %sign3A_4 = arith.cmpi slt, %add3A, %sign3A_3 : i32
    %sign3A_5 = arith.extui %sign3A_4 : i1 to i32
    %sign3A_6 = arith.subi %sign3A_2, %sign3A_5 : i32
    %sign3A_7 = arith.constant 0 : i32
    %sign3A_8 = arith.cmpi sgt, %jit3A, %sign3A_7 : i32
    %sign3A_9 = arith.extui %sign3A_8 : i1 to i32
    %sign3A_10 = arith.constant 0 : i32
    %sign3A_11 = arith.cmpi slt, %jit3A, %sign3A_10 : i32
    %sign3A_12 = arith.extui %sign3A_11 : i1 to i32
    %sign3A_13 = arith.subi %sign3A_9, %sign3A_12 : i32
    %ne3A = arith.cmpi ne, %sign3A_6, %sign3A_13 : i32
    %rem3A = arith.remsi %add3A, %jit3A : i32
    %ne3A_14 = arith.constant 0 : i32
    %ne3A_15 = arith.cmpi ne, %rem3A, %ne3A_14 : i32
    %and3A = arith.andi %ne3A, %ne3A_15 : i1
    %sub3A = arith.constant 1 : i32
    %sub3A_16 = arith.subi %div3A, %sub3A : i32
    %select_n3A = arith.select %and3A, %sub3A_16, %div3A : i32
    %jit3A_17 = arith.constant 4 : i32
    %eq3A = arith.constant 0 : i32
    %eq3A_18 = arith.cmpi eq, %jit3A_17, %eq3A : i32
    %jit3A_19 = arith.constant 1 : i32
    %select_n3A_20 = arith.select %eq3A_18, %jit3A_19, %jit3A_17 : i32
    %rem3A_21 = arith.remsi %add3A, %select_n3A_20 : i32
    %ne3A_22 = arith.constant 0 : i32
    %ne3A_23 = arith.cmpi ne, %rem3A_21, %ne3A_22 : i32
    %lt3A = arith.constant 0 : i32
    %lt3A_24 = arith.cmpi slt, %rem3A_21, %lt3A : i32
    %lt3A_25 = arith.constant 0 : i32
    %lt3A_26 = arith.cmpi slt, %select_n3A_20, %lt3A_25 : i32
    %ne3A_27 = arith.xori %lt3A_24, %lt3A_26 : i1
    %and3A_28 = arith.andi %ne3A_27, %ne3A_23 : i1
    %add3A_29 = arith.addi %rem3A_21, %select_n3A_20 : i32
    %select_n3A_30 = arith.select %and3A_28, %add3A_29, %rem3A_21 : i32
    %mul3A_31 = arith.constant 32 : i32
    %mul3A_32 = arith.muli %select_n3A_30, %mul3A_31 : i32
    %add3A_33 = arith.constant 384 : i32
    %add3A_34 = arith.addi %add3A_33, %mul3A_32 : i32
    %add3A_35 = arith.constant 0 : i32
    %add3A_36 = arith.addi %add3A_34, %add3A_35 : i32
    %dma_start3A = arith.constant 0 : i32
    %dma_start3A_37 = arith.constant 0 : i32
    %dma_start3A_38 = tpu.memref_slice %arg2[%select_n3A, %dma_start3A, %add3A_36, %dma_start3A_37] : memref<8x8x512x512xf32, #tpu.memory_space<hbm>> -> memref<1x1x16x512xf32, #tpu.memory_space<hbm>>
    %dma_start3A_39 = tpu.memref_squeeze %dma_start3A_38 : memref<1x1x16x512xf32, #tpu.memory_space<hbm>> -> memref<16x512xf32, #tpu.memory_space<hbm>>
    %dma_start3A_40 = arith.constant 0 : i32
    %dma_start3A_41 = tpu.memref_slice %arg2[%select_n3A, %dma_start3A, %add3A_36, %dma_start3A_40] : memref<8x8x512x512xf32, #tpu.memory_space<hbm>> -> memref<1x1x16x512xf32, #tpu.memory_space<hbm>>
    %dma_start3A_42 = tpu.memref_squeeze %dma_start3A_41 : memref<1x1x16x512xf32, #tpu.memory_space<hbm>> -> memref<16x512xf32, #tpu.memory_space<hbm>>
    tpu.enqueue_dma source(%dma_start3A_42 : memref<16x512xf32, #tpu.memory_space<hbm>>) target(%arg5 : memref<16x512xf32, #tpu.memory_space<vmem>>) target_semaphore(%arg11 : memref<!tpu.dma_semaphore, #tpu.memory_space<semaphore_mem>>)
    %dma_start3A_43 = arith.constant 0 : i32
    %dma_start3A_44 = arith.constant 0 : i32
    %dma_start3A_45 = tpu.memref_slice %arg3[%select_n3A, %dma_start3A_43, %add3A_36, %dma_start3A_44] : memref<8x8x512x512xi32, #tpu.memory_space<hbm>> -> memref<1x1x16x512xi32, #tpu.memory_space<hbm>>
    %dma_start3A_46 = tpu.memref_squeeze %dma_start3A_45 : memref<1x1x16x512xi32, #tpu.memory_space<hbm>> -> memref<16x512xi32, #tpu.memory_space<hbm>>
    %dma_start3A_47 = arith.constant 0 : i32
    %dma_start3A_48 = tpu.memref_slice %arg3[%select_n3A, %dma_start3A_43, %add3A_36, %dma_start3A_47] : memref<8x8x512x512xi32, #tpu.memory_space<hbm>> -> memref<1x1x16x512xi32, #tpu.memory_space<hbm>>
    %dma_start3A_49 = tpu.memref_squeeze %dma_start3A_48 : memref<1x1x16x512xi32, #tpu.memory_space<hbm>> -> memref<16x512xi32, #tpu.memory_space<hbm>>
    tpu.enqueue_dma source(%dma_start3A_49 : memref<16x512xi32, #tpu.memory_space<hbm>>) target(%arg6 : memref<16x512xi32, #tpu.memory_space<vmem>>) target_semaphore(%arg11 : memref<!tpu.dma_semaphore, #tpu.memory_space<semaphore_mem>>)
    %broadcast_in_dim3A = arith.constant 0.000000e+00 : f32
    %broadcast_in_dim3A_50 = vector.broadcast %broadcast_in_dim3A : f32 to vector<16xf32>
    %broadcast_in_dim3A_51 = arith.constant 0.000000e+00 : f32
    %broadcast_in_dim3A_52 = vector.broadcast %broadcast_in_dim3A_51 : f32 to vector<16xf32>
    %add3A_53 = arith.constant 16 : i32
    %add3A_54 = arith.addi %add3A_34, %add3A_53 : i32
    %dma_start3A_55 = arith.constant 0 : i32
    %dma_start3A_56 = arith.constant 0 : i32
    %dma_start3A_57 = tpu.memref_slice %arg2[%select_n3A, %dma_start3A_55, %add3A_54, %dma_start3A_56] : memref<8x8x512x512xf32, #tpu.memory_space<hbm>> -> memref<1x1x16x512xf32, #tpu.memory_space<hbm>>
    %dma_start3A_58 = tpu.memref_squeeze %dma_start3A_57 : memref<1x1x16x512xf32, #tpu.memory_space<hbm>> -> memref<16x512xf32, #tpu.memory_space<hbm>>
    %dma_start3A_59 = arith.constant 0 : i32
    %dma_start3A_60 = tpu.memref_slice %arg2[%select_n3A, %dma_start3A_55, %add3A_54, %dma_start3A_59] : memref<8x8x512x512xf32, #tpu.memory_space<hbm>> -> memref<1x1x16x512xf32, #tpu.memory_space<hbm>>
    %dma_start3A_61 = tpu.memref_squeeze %dma_start3A_60 : memref<1x1x16x512xf32, #tpu.memory_space<hbm>> -> memref<16x512xf32, #tpu.memory_space<hbm>>
    tpu.enqueue_dma source(%dma_start3A_61 : memref<16x512xf32, #tpu.memory_space<hbm>>) target(%arg7 : memref<16x512xf32, #tpu.memory_space<vmem>>) target_semaphore(%arg12 : memref<!tpu.dma_semaphore, #tpu.memory_space<semaphore_mem>>)
    %dma_start3A_62 = arith.constant 0 : i32
    %dma_start3A_63 = arith.constant 0 : i32
    %dma_start3A_64 = tpu.memref_slice %arg3[%select_n3A, %dma_start3A_62, %add3A_54, %dma_start3A_63] : memref<8x8x512x512xi32, #tpu.memory_space<hbm>> -> memref<1x1x16x512xi32, #tpu.memory_space<hbm>>
    %dma_start3A_65 = tpu.memref_squeeze %dma_start3A_64 : memref<1x1x16x512xi32, #tpu.memory_space<hbm>> -> memref<16x512xi32, #tpu.memory_space<hbm>>
    %dma_start3A_66 = arith.constant 0 : i32
    %dma_start3A_67 = tpu.memref_slice %arg3[%select_n3A, %dma_start3A_62, %add3A_54, %dma_start3A_66] : memref<8x8x512x512xi32, #tpu.memory_space<hbm>> -> memref<1x1x16x512xi32, #tpu.memory_space<hbm>>
    %dma_start3A_68 = tpu.memref_squeeze %dma_start3A_67 : memref<1x1x16x512xi32, #tpu.memory_space<hbm>> -> memref<16x512xi32, #tpu.memory_space<hbm>>
    tpu.enqueue_dma source(%dma_start3A_68 : memref<16x512xi32, #tpu.memory_space<hbm>>) target(%arg8 : memref<16x512xi32, #tpu.memory_space<vmem>>) target_semaphore(%arg12 : memref<!tpu.dma_semaphore, #tpu.memory_space<semaphore_mem>>)
    %dma_wait3A = arith.constant 0 : i32
    %dma_wait3A_69 = arith.constant 0 : i32
    %dma_wait3A_70 = tpu.memref_slice %arg2[%select_n3A, %dma_wait3A, %add3A_36, %dma_wait3A_69] : memref<8x8x512x512xf32, #tpu.memory_space<hbm>> -> memref<1x1x16x512xf32, #tpu.memory_space<hbm>>
    %dma_wait3A_71 = tpu.memref_squeeze %dma_wait3A_70 : memref<1x1x16x512xf32, #tpu.memory_space<hbm>> -> memref<16x512xf32, #tpu.memory_space<hbm>>
    %dma_wait3A_72 = arith.constant 0 : i32
    %dma_wait3A_73 = tpu.memref_slice %arg2[%select_n3A, %dma_wait3A, %add3A_36, %dma_wait3A_72] : memref<8x8x512x512xf32, #tpu.memory_space<hbm>> -> memref<1x1x16x512xf32, #tpu.memory_space<hbm>>
    %dma_wait3A_74 = tpu.memref_squeeze %dma_wait3A_73 : memref<1x1x16x512xf32, #tpu.memory_space<hbm>> -> memref<16x512xf32, #tpu.memory_space<hbm>>
    tpu.wait_dma2 semaphore(%arg11 : memref<!tpu.dma_semaphore, #tpu.memory_space<semaphore_mem>>) src(%dma_wait3A_74 : memref<16x512xf32, #tpu.memory_space<hbm>>) dst(%arg5 : memref<16x512xf32, #tpu.memory_space<vmem>>)
    %dma_wait3A_75 = arith.constant 0 : i32
    %dma_wait3A_76 = arith.constant 0 : i32
    %dma_wait3A_77 = tpu.memref_slice %arg3[%select_n3A, %dma_wait3A_75, %add3A_36, %dma_wait3A_76] : memref<8x8x512x512xi32, #tpu.memory_space<hbm>> -> memref<1x1x16x512xi32, #tpu.memory_space<hbm>>
    %dma_wait3A_78 = tpu.memref_squeeze %dma_wait3A_77 : memref<1x1x16x512xi32, #tpu.memory_space<hbm>> -> memref<16x512xi32, #tpu.memory_space<hbm>>
    %dma_wait3A_79 = arith.constant 0 : i32
    %dma_wait3A_80 = tpu.memref_slice %arg3[%select_n3A, %dma_wait3A_75, %add3A_36, %dma_wait3A_79] : memref<8x8x512x512xi32, #tpu.memory_space<hbm>> -> memref<1x1x16x512xi32, #tpu.memory_space<hbm>>
    %dma_wait3A_81 = tpu.memref_squeeze %dma_wait3A_80 : memref<1x1x16x512xi32, #tpu.memory_space<hbm>> -> memref<16x512xi32, #tpu.memory_space<hbm>>
    tpu.wait_dma2 semaphore(%arg11 : memref<!tpu.dma_semaphore, #tpu.memory_space<semaphore_mem>>) src(%dma_wait3A_81 : memref<16x512xi32, #tpu.memory_space<hbm>>) dst(%arg6 : memref<16x512xi32, #tpu.memory_space<vmem>>)
    %parallel_loop3A = arith.constant 0 : i32
    %parallel_loop3A_82 = arith.constant 512 : i32
    %parallel_loop3A_83 = arith.constant 1 : i32
    %parallel_loop3A_84:2 = scf.for %parallel_loop3A_111 = %parallel_loop3A to %parallel_loop3A_82 step %parallel_loop3A_83 iter_args(%parallel_loop3A_112 = %broadcast_in_dim3A_50, %parallel_loop3A_113 = %broadcast_in_dim3A_52) -> (vector<16xf32>, vector<16xf32>)  : i32 {
      %parallel_loop3A_114 = arith.constant 32 : i32
      %parallel_loop3A_115 = arith.divsi %parallel_loop3A_111, %parallel_loop3A_114 : i32
      %parallel_loop3A_116 = arith.constant 0 : i32
      %parallel_loop3A_117 = arith.cmpi sgt, %parallel_loop3A_111, %parallel_loop3A_116 : i32
      %parallel_loop3A_118 = arith.extui %parallel_loop3A_117 : i1 to i32
      %parallel_loop3A_119 = arith.constant 0 : i32
      %parallel_loop3A_120 = arith.cmpi slt, %parallel_loop3A_111, %parallel_loop3A_119 : i32
      %parallel_loop3A_121 = arith.extui %parallel_loop3A_120 : i1 to i32
      %parallel_loop3A_122 = arith.subi %parallel_loop3A_118, %parallel_loop3A_121 : i32
      %parallel_loop3A_123 = arith.constant 0 : i32
      %parallel_loop3A_124 = arith.cmpi sgt, %parallel_loop3A_114, %parallel_loop3A_123 : i32
      %parallel_loop3A_125 = arith.extui %parallel_loop3A_124 : i1 to i32
      %parallel_loop3A_126 = arith.constant 0 : i32
      %parallel_loop3A_127 = arith.cmpi slt, %parallel_loop3A_114, %parallel_loop3A_126 : i32
      %parallel_loop3A_128 = arith.extui %parallel_loop3A_127 : i1 to i32
      %parallel_loop3A_129 = arith.subi %parallel_loop3A_125, %parallel_loop3A_128 : i32
      %parallel_loop3A_130 = arith.cmpi ne, %parallel_loop3A_122, %parallel_loop3A_129 : i32
      %parallel_loop3A_131 = arith.remsi %parallel_loop3A_111, %parallel_loop3A_114 : i32
      %parallel_loop3A_132 = arith.constant 0 : i32
      %parallel_loop3A_133 = arith.cmpi ne, %parallel_loop3A_131, %parallel_loop3A_132 : i32
      %parallel_loop3A_134 = arith.andi %parallel_loop3A_130, %parallel_loop3A_133 : i1
      %parallel_loop3A_135 = arith.constant 1 : i32
      %parallel_loop3A_136 = arith.subi %parallel_loop3A_115, %parallel_loop3A_135 : i32
      %parallel_loop3A_137 = arith.select %parallel_loop3A_134, %parallel_loop3A_136, %parallel_loop3A_115 : i32
      %parallel_loop3A_138 = arith.constant 32 : i32
      %parallel_loop3A_139 = arith.constant 0 : i32
      %parallel_loop3A_140 = arith.cmpi eq, %parallel_loop3A_138, %parallel_loop3A_139 : i32
      %parallel_loop3A_141 = arith.constant 1 : i32
      %parallel_loop3A_142 = arith.select %parallel_loop3A_140, %parallel_loop3A_141, %parallel_loop3A_138 : i32
      %parallel_loop3A_143 = arith.remsi %parallel_loop3A_111, %parallel_loop3A_142 : i32
      %parallel_loop3A_144 = arith.constant 0 : i32
      %parallel_loop3A_145 = arith.cmpi ne, %parallel_loop3A_143, %parallel_loop3A_144 : i32
      %parallel_loop3A_146 = arith.constant 0 : i32
      %parallel_loop3A_147 = arith.cmpi slt, %parallel_loop3A_143, %parallel_loop3A_146 : i32
      %parallel_loop3A_148 = arith.constant 0 : i32
      %parallel_loop3A_149 = arith.cmpi slt, %parallel_loop3A_142, %parallel_loop3A_148 : i32
      %parallel_loop3A_150 = arith.xori %parallel_loop3A_147, %parallel_loop3A_149 : i1
      %parallel_loop3A_151 = arith.andi %parallel_loop3A_150, %parallel_loop3A_145 : i1
      %parallel_loop3A_152 = arith.addi %parallel_loop3A_143, %parallel_loop3A_142 : i32
      %parallel_loop3A_153 = arith.select %parallel_loop3A_151, %parallel_loop3A_152, %parallel_loop3A_143 : i32
      %parallel_loop3A_154 = arith.constant 16 : i32
      %parallel_loop3A_155 = arith.muli %parallel_loop3A_153, %parallel_loop3A_154 : i32
      %parallel_loop3A_156 = arith.index_cast %parallel_loop3A_137 : i32 to index
      %parallel_loop3A_157 = arith.index_cast %parallel_loop3A_155 : i32 to index
      %parallel_loop3A_158 = tpu.vector_load %arg5[%parallel_loop3A_156, %parallel_loop3A_157] {strides = array<i32>} : memref<16x512xf32, #tpu.memory_space<vmem>>, vector<1x16xf32>,
      %parallel_loop3A_159 = vector.shape_cast %parallel_loop3A_158 : vector<1x16xf32> to vector<16xf32>
      %parallel_loop3A_160 = arith.index_cast %parallel_loop3A_137 : i32 to index
      %parallel_loop3A_161 = arith.index_cast %parallel_loop3A_155 : i32 to index
      %parallel_loop3A_162 = tpu.vector_load %arg6[%parallel_loop3A_160, %parallel_loop3A_161] {strides = array<i32>} : memref<16x512xi32, #tpu.memory_space<vmem>>, vector<1x16xi32>,
      %parallel_loop3A_163 = vector.shape_cast %parallel_loop3A_162 : vector<1x16xi32> to vector<16xi32>
      %parallel_loop3A_164 = arith.constant 1 : i32
      %parallel_loop3A_165 = vector.broadcast %parallel_loop3A_164 : i32 to vector<16xi32>
      %parallel_loop3A_166 = arith.cmpi eq, %parallel_loop3A_163, %parallel_loop3A_165 : vector<16xi32>
      %parallel_loop3A_167 = arith.constant 0.000000e+00 : f32
      %parallel_loop3A_168 = vector.broadcast %parallel_loop3A_167 : f32 to vector<16xf32>
      %parallel_loop3A_169 = arith.subf %parallel_loop3A_168, %parallel_loop3A_159 : vector<16xf32>
      %parallel_loop3A_170 = arith.select %parallel_loop3A_166, %parallel_loop3A_169, %parallel_loop3A_159 : vector<16xi1>, vector<16xf32>
      %parallel_loop3A_171 = math.absf %parallel_loop3A_159 : vector<16xf32>
      %parallel_loop3A_172 = arith.constant 0.000000e+00 : f32
      %parallel_loop3A_173 = vector.broadcast %parallel_loop3A_172 : f32 to vector<16xf32>
      %parallel_loop3A_174 = arith.subf %parallel_loop3A_173, %parallel_loop3A_171 : vector<16xf32>
      %parallel_loop3A_175 = math.exp %parallel_loop3A_174 : vector<16xf32>
      %parallel_loop3A_176 = arith.constant 1.000000e+00 : f32
      %parallel_loop3A_177 = vector.broadcast %parallel_loop3A_176 : f32 to vector<16xf32>
      %parallel_loop3A_178 = arith.addf %parallel_loop3A_177, %parallel_loop3A_175 : vector<16xf32>
      %parallel_loop3A_179 = arith.constant -0.0554593131 : f32
      %parallel_loop3A_180 = vector.broadcast %parallel_loop3A_179 : f32 to vector<16xf32>
      %parallel_loop3A_181 = arith.mulf %parallel_loop3A_180, %parallel_loop3A_178 : vector<16xf32>
      %parallel_loop3A_182 = arith.constant 0.440502733 : f32
      %parallel_loop3A_183 = vector.broadcast %parallel_loop3A_182 : f32 to vector<16xf32>
      %parallel_loop3A_184 = arith.addf %parallel_loop3A_181, %parallel_loop3A_183 : vector<16xf32>
      %parallel_loop3A_185 = arith.mulf %parallel_loop3A_184, %parallel_loop3A_178 : vector<16xf32>
      %parallel_loop3A_186 = arith.constant -1.45519483 : f32
      %parallel_loop3A_187 = vector.broadcast %parallel_loop3A_186 : f32 to vector<16xf32>
      %parallel_loop3A_188 = arith.addf %parallel_loop3A_185, %parallel_loop3A_187 : vector<16xf32>
      %parallel_loop3A_189 = arith.mulf %parallel_loop3A_188, %parallel_loop3A_178 : vector<16xf32>
      %parallel_loop3A_190 = arith.constant 2.80698061 : f32
      %parallel_loop3A_191 = vector.broadcast %parallel_loop3A_190 : f32 to vector<16xf32>
      %parallel_loop3A_192 = arith.addf %parallel_loop3A_189, %parallel_loop3A_191 : vector<16xf32>
      %parallel_loop3A_193 = arith.mulf %parallel_loop3A_192, %parallel_loop3A_178 : vector<16xf32>
      %parallel_loop3A_194 = arith.constant -1.73675978 : f32
      %parallel_loop3A_195 = vector.broadcast %parallel_loop3A_194 : f32 to vector<16xf32>
      %parallel_loop3A_196 = arith.addf %parallel_loop3A_193, %parallel_loop3A_195 : vector<16xf32>
      %parallel_loop3A_197 = arith.constant 0.000000e+00 : f32
      %parallel_loop3A_198 = vector.broadcast %parallel_loop3A_197 : f32 to vector<16xf32>
      %parallel_loop3A_199 = arith.maximumf %parallel_loop3A_170, %parallel_loop3A_198 : vector<16xf32>
      %parallel_loop3A_200 = arith.addf %parallel_loop3A_199, %parallel_loop3A_196 : vector<16xf32>
      %parallel_loop3A_201 = arith.constant -0.847297847 : f32
      %parallel_loop3A_202 = vector.broadcast %parallel_loop3A_201 : f32 to vector<16xf32>
      %parallel_loop3A_203 = arith.cmpf oge, %parallel_loop3A_170, %parallel_loop3A_202 : vector<16xf32>
      %parallel_loop3A_204 = arith.constant 0.000000e+00 : f32
      %parallel_loop3A_205 = vector.broadcast %parallel_loop3A_204 : f32 to vector<16xf32>
      %parallel_loop3A_206 = arith.select %parallel_loop3A_203, %parallel_loop3A_200, %parallel_loop3A_205 : vector<16xi1>, vector<16xf32>
      %parallel_loop3A_207 = arith.addf %parallel_loop3A_112, %parallel_loop3A_206 : vector<16xf32>
      %parallel_loop3A_208 = arith.constant 1.000000e+00 : f32
      %parallel_loop3A_209 = arith.constant 0.000000e+00 : f32
      %parallel_loop3A_210 = vector.broadcast %parallel_loop3A_208 : f32 to vector<16xf32>
      %parallel_loop3A_211 = vector.broadcast %parallel_loop3A_209 : f32 to vector<16xf32>
      %parallel_loop3A_212 = arith.select %parallel_loop3A_203, %parallel_loop3A_210, %parallel_loop3A_211 : vector<16xi1>, vector<16xf32>
      %parallel_loop3A_213 = arith.addf %parallel_loop3A_113, %parallel_loop3A_212 : vector<16xf32>
      scf.yield %parallel_loop3A_207, %parallel_loop3A_213 : vector<16xf32>, vector<16xf32>
    } {sc.loop_unroll_factor = 8 : i64, sc.parallel_access}
    %dma_wait3A_85 = arith.constant 0 : i32
    %dma_wait3A_86 = arith.constant 0 : i32
    %dma_wait3A_87 = tpu.memref_slice %arg2[%select_n3A, %dma_wait3A_85, %add3A_54, %dma_wait3A_86] : memref<8x8x512x512xf32, #tpu.memory_space<hbm>> -> memref<1x1x16x512xf32, #tpu.memory_space<hbm>>
    %dma_wait3A_88 = tpu.memref_squeeze %dma_wait3A_87 : memref<1x1x16x512xf32, #tpu.memory_space<hbm>> -> memref<16x512xf32, #tpu.memory_space<hbm>>
    %dma_wait3A_89 = arith.constant 0 : i32
    %dma_wait3A_90 = tpu.memref_slice %arg2[%select_n3A, %dma_wait3A_85, %add3A_54, %dma_wait3A_89] : memref<8x8x512x512xf32, #tpu.memory_space<hbm>> -> memref<1x1x16x512xf32, #tpu.memory_space<hbm>>
    %dma_wait3A_91 = tpu.memref_squeeze %dma_wait3A_90 : memref<1x1x16x512xf32, #tpu.memory_space<hbm>> -> memref<16x512xf32, #tpu.memory_space<hbm>>
    tpu.wait_dma2 semaphore(%arg12 : memref<!tpu.dma_semaphore, #tpu.memory_space<semaphore_mem>>) src(%dma_wait3A_91 : memref<16x512xf32, #tpu.memory_space<hbm>>) dst(%arg7 : memref<16x512xf32, #tpu.memory_space<vmem>>)
    %dma_wait3A_92 = arith.constant 0 : i32
    %dma_wait3A_93 = arith.constant 0 : i32
    %dma_wait3A_94 = tpu.memref_slice %arg3[%select_n3A, %dma_wait3A_92, %add3A_54, %dma_wait3A_93] : memref<8x8x512x512xi32, #tpu.memory_space<hbm>> -> memref<1x1x16x512xi32, #tpu.memory_space<hbm>>
    %dma_wait3A_95 = tpu.memref_squeeze %dma_wait3A_94 : memref<1x1x16x512xi32, #tpu.memory_space<hbm>> -> memref<16x512xi32, #tpu.memory_space<hbm>>
    %dma_wait3A_96 = arith.constant 0 : i32
    %dma_wait3A_97 = tpu.memref_slice %arg3[%select_n3A, %dma_wait3A_92, %add3A_54, %dma_wait3A_96] : memref<8x8x512x512xi32, #tpu.memory_space<hbm>> -> memref<1x1x16x512xi32, #tpu.memory_space<hbm>>
    %dma_wait3A_98 = tpu.memref_squeeze %dma_wait3A_97 : memref<1x1x16x512xi32, #tpu.memory_space<hbm>> -> memref<16x512xi32, #tpu.memory_space<hbm>>
    tpu.wait_dma2 semaphore(%arg12 : memref<!tpu.dma_semaphore, #tpu.memory_space<semaphore_mem>>) src(%dma_wait3A_98 : memref<16x512xi32, #tpu.memory_space<hbm>>) dst(%arg8 : memref<16x512xi32, #tpu.memory_space<vmem>>)
    %parallel_loop3A_99 = arith.constant 0 : i32
    %parallel_loop3A_100 = arith.constant 512 : i32
    %parallel_loop3A_101 = arith.constant 1 : i32
    %parallel_loop3A_102:2 = scf.for %parallel_loop3A_111 = %parallel_loop3A_99 to %parallel_loop3A_100 step %parallel_loop3A_101 iter_args(%parallel_loop3A_112 = %parallel_loop3A_84#0, %parallel_loop3A_113 = %parallel_loop3A_84#1) -> (vector<16xf32>, vector<16xf32>)  : i32 {
      %parallel_loop3A_114 = arith.constant 32 : i32
      %parallel_loop3A_115 = arith.divsi %parallel_loop3A_111, %parallel_loop3A_114 : i32
      %parallel_loop3A_116 = arith.constant 0 : i32
      %parallel_loop3A_117 = arith.cmpi sgt, %parallel_loop3A_111, %parallel_loop3A_116 : i32
      %parallel_loop3A_118 = arith.extui %parallel_loop3A_117 : i1 to i32
      %parallel_loop3A_119 = arith.constant 0 : i32
      %parallel_loop3A_120 = arith.cmpi slt, %parallel_loop3A_111, %parallel_loop3A_119 : i32
      %parallel_loop3A_121 = arith.extui %parallel_loop3A_120 : i1 to i32
      %parallel_loop3A_122 = arith.subi %parallel_loop3A_118, %parallel_loop3A_121 : i32
      %parallel_loop3A_123 = arith.constant 0 : i32
      %parallel_loop3A_124 = arith.cmpi sgt, %parallel_loop3A_114, %parallel_loop3A_123 : i32
      %parallel_loop3A_125 = arith.extui %parallel_loop3A_124 : i1 to i32
      %parallel_loop3A_126 = arith.constant 0 : i32
      %parallel_loop3A_127 = arith.cmpi slt, %parallel_loop3A_114, %parallel_loop3A_126 : i32
      %parallel_loop3A_128 = arith.extui %parallel_loop3A_127 : i1 to i32
      %parallel_loop3A_129 = arith.subi %parallel_loop3A_125, %parallel_loop3A_128 : i32
      %parallel_loop3A_130 = arith.cmpi ne, %parallel_loop3A_122, %parallel_loop3A_129 : i32
      %parallel_loop3A_131 = arith.remsi %parallel_loop3A_111, %parallel_loop3A_114 : i32
      %parallel_loop3A_132 = arith.constant 0 : i32
      %parallel_loop3A_133 = arith.cmpi ne, %parallel_loop3A_131, %parallel_loop3A_132 : i32
      %parallel_loop3A_134 = arith.andi %parallel_loop3A_130, %parallel_loop3A_133 : i1
      %parallel_loop3A_135 = arith.constant 1 : i32
      %parallel_loop3A_136 = arith.subi %parallel_loop3A_115, %parallel_loop3A_135 : i32
      %parallel_loop3A_137 = arith.select %parallel_loop3A_134, %parallel_loop3A_136, %parallel_loop3A_115 : i32
      %parallel_loop3A_138 = arith.constant 32 : i32
      %parallel_loop3A_139 = arith.constant 0 : i32
      %parallel_loop3A_140 = arith.cmpi eq, %parallel_loop3A_138, %parallel_loop3A_139 : i32
      %parallel_loop3A_141 = arith.constant 1 : i32
      %parallel_loop3A_142 = arith.select %parallel_loop3A_140, %parallel_loop3A_141, %parallel_loop3A_138 : i32
      %parallel_loop3A_143 = arith.remsi %parallel_loop3A_111, %parallel_loop3A_142 : i32
      %parallel_loop3A_144 = arith.constant 0 : i32
      %parallel_loop3A_145 = arith.cmpi ne, %parallel_loop3A_143, %parallel_loop3A_144 : i32
      %parallel_loop3A_146 = arith.constant 0 : i32
      %parallel_loop3A_147 = arith.cmpi slt, %parallel_loop3A_143, %parallel_loop3A_146 : i32
      %parallel_loop3A_148 = arith.constant 0 : i32
      %parallel_loop3A_149 = arith.cmpi slt, %parallel_loop3A_142, %parallel_loop3A_148 : i32
      %parallel_loop3A_150 = arith.xori %parallel_loop3A_147, %parallel_loop3A_149 : i1
      %parallel_loop3A_151 = arith.andi %parallel_loop3A_150, %parallel_loop3A_145 : i1
      %parallel_loop3A_152 = arith.addi %parallel_loop3A_143, %parallel_loop3A_142 : i32
      %parallel_loop3A_153 = arith.select %parallel_loop3A_151, %parallel_loop3A_152, %parallel_loop3A_143 : i32
      %parallel_loop3A_154 = arith.constant 16 : i32
      %parallel_loop3A_155 = arith.muli %parallel_loop3A_153, %parallel_loop3A_154 : i32
      %parallel_loop3A_156 = arith.index_cast %parallel_loop3A_137 : i32 to index
      %parallel_loop3A_157 = arith.index_cast %parallel_loop3A_155 : i32 to index
      %parallel_loop3A_158 = tpu.vector_load %arg7[%parallel_loop3A_156, %parallel_loop3A_157] {strides = array<i32>} : memref<16x512xf32, #tpu.memory_space<vmem>>, vector<1x16xf32>,
      %parallel_loop3A_159 = vector.shape_cast %parallel_loop3A_158 : vector<1x16xf32> to vector<16xf32>
      %parallel_loop3A_160 = arith.index_cast %parallel_loop3A_137 : i32 to index
      %parallel_loop3A_161 = arith.index_cast %parallel_loop3A_155 : i32 to index
      %parallel_loop3A_162 = tpu.vector_load %arg8[%parallel_loop3A_160, %parallel_loop3A_161] {strides = array<i32>} : memref<16x512xi32, #tpu.memory_space<vmem>>, vector<1x16xi32>,
      %parallel_loop3A_163 = vector.shape_cast %parallel_loop3A_162 : vector<1x16xi32> to vector<16xi32>
      %parallel_loop3A_164 = arith.constant 1 : i32
      %parallel_loop3A_165 = vector.broadcast %parallel_loop3A_164 : i32 to vector<16xi32>
      %parallel_loop3A_166 = arith.cmpi eq, %parallel_loop3A_163, %parallel_loop3A_165 : vector<16xi32>
      %parallel_loop3A_167 = arith.constant 0.000000e+00 : f32
      %parallel_loop3A_168 = vector.broadcast %parallel_loop3A_167 : f32 to vector<16xf32>
      %parallel_loop3A_169 = arith.subf %parallel_loop3A_168, %parallel_loop3A_159 : vector<16xf32>
      %parallel_loop3A_170 = arith.select %parallel_loop3A_166, %parallel_loop3A_169, %parallel_loop3A_159 : vector<16xi1>, vector<16xf32>
      %parallel_loop3A_171 = math.absf %parallel_loop3A_159 : vector<16xf32>
      %parallel_loop3A_172 = arith.constant 0.000000e+00 : f32
      %parallel_loop3A_173 = vector.broadcast %parallel_loop3A_172 : f32 to vector<16xf32>
      %parallel_loop3A_174 = arith.subf %parallel_loop3A_173, %parallel_loop3A_171 : vector<16xf32>
      %parallel_loop3A_175 = math.exp %parallel_loop3A_174 : vector<16xf32>
      %parallel_loop3A_176 = arith.constant 1.000000e+00 : f32
      %parallel_loop3A_177 = vector.broadcast %parallel_loop3A_176 : f32 to vector<16xf32>
      %parallel_loop3A_178 = arith.addf %parallel_loop3A_177, %parallel_loop3A_175 : vector<16xf32>
      %parallel_loop3A_179 = arith.constant -0.0554593131 : f32
      %parallel_loop3A_180 = vector.broadcast %parallel_loop3A_179 : f32 to vector<16xf32>
      %parallel_loop3A_181 = arith.mulf %parallel_loop3A_180, %parallel_loop3A_178 : vector<16xf32>
      %parallel_loop3A_182 = arith.constant 0.440502733 : f32
      %parallel_loop3A_183 = vector.broadcast %parallel_loop3A_182 : f32 to vector<16xf32>
      %parallel_loop3A_184 = arith.addf %parallel_loop3A_181, %parallel_loop3A_183 : vector<16xf32>
      %parallel_loop3A_185 = arith.mulf %parallel_loop3A_184, %parallel_loop3A_178 : vector<16xf32>
      %parallel_loop3A_186 = arith.constant -1.45519483 : f32
      %parallel_loop3A_187 = vector.broadcast %parallel_loop3A_186 : f32 to vector<16xf32>
      %parallel_loop3A_188 = arith.addf %parallel_loop3A_185, %parallel_loop3A_187 : vector<16xf32>
      %parallel_loop3A_189 = arith.mulf %parallel_loop3A_188, %parallel_loop3A_178 : vector<16xf32>
      %parallel_loop3A_190 = arith.constant 2.80698061 : f32
      %parallel_loop3A_191 = vector.broadcast %parallel_loop3A_190 : f32 to vector<16xf32>
      %parallel_loop3A_192 = arith.addf %parallel_loop3A_189, %parallel_loop3A_191 : vector<16xf32>
      %parallel_loop3A_193 = arith.mulf %parallel_loop3A_192, %parallel_loop3A_178 : vector<16xf32>
      %parallel_loop3A_194 = arith.constant -1.73675978 : f32
      %parallel_loop3A_195 = vector.broadcast %parallel_loop3A_194 : f32 to vector<16xf32>
      %parallel_loop3A_196 = arith.addf %parallel_loop3A_193, %parallel_loop3A_195 : vector<16xf32>
      %parallel_loop3A_197 = arith.constant 0.000000e+00 : f32
      %parallel_loop3A_198 = vector.broadcast %parallel_loop3A_197 : f32 to vector<16xf32>
      %parallel_loop3A_199 = arith.maximumf %parallel_loop3A_170, %parallel_loop3A_198 : vector<16xf32>
      %parallel_loop3A_200 = arith.addf %parallel_loop3A_199, %parallel_loop3A_196 : vector<16xf32>
      %parallel_loop3A_201 = arith.constant -0.847297847 : f32
      %parallel_loop3A_202 = vector.broadcast %parallel_loop3A_201 : f32 to vector<16xf32>
      %parallel_loop3A_203 = arith.cmpf oge, %parallel_loop3A_170, %parallel_loop3A_202 : vector<16xf32>
      %parallel_loop3A_204 = arith.constant 0.000000e+00 : f32
      %parallel_loop3A_205 = vector.broadcast %parallel_loop3A_204 : f32 to vector<16xf32>
      %parallel_loop3A_206 = arith.select %parallel_loop3A_203, %parallel_loop3A_200, %parallel_loop3A_205 : vector<16xi1>, vector<16xf32>
      %parallel_loop3A_207 = arith.addf %parallel_loop3A_112, %parallel_loop3A_206 : vector<16xf32>
      %parallel_loop3A_208 = arith.constant 1.000000e+00 : f32
      %parallel_loop3A_209 = arith.constant 0.000000e+00 : f32
      %parallel_loop3A_210 = vector.broadcast %parallel_loop3A_208 : f32 to vector<16xf32>
      %parallel_loop3A_211 = vector.broadcast %parallel_loop3A_209 : f32 to vector<16xf32>
      %parallel_loop3A_212 = arith.select %parallel_loop3A_203, %parallel_loop3A_210, %parallel_loop3A_211 : vector<16xi1>, vector<16xf32>
      %parallel_loop3A_213 = arith.addf %parallel_loop3A_113, %parallel_loop3A_212 : vector<16xf32>
      scf.yield %parallel_loop3A_207, %parallel_loop3A_213 : vector<16xf32>, vector<16xf32>
    } {sc.loop_unroll_factor = 8 : i64, sc.parallel_access}
    %swap3A = arith.constant 0 : index
    %swap3A_103 = tpu.vector_load %arg9[%swap3A] {strides = array<i32>} : memref<16xf32, #tpu.memory_space<vmem>>, vector<16xf32>,
    %swap3A_104 = vector.shape_cast %swap3A_103 : vector<16xf32> to vector<16xf32>
    %swap3A_105 = vector.shape_cast %parallel_loop3A_102#0 : vector<16xf32> to vector<16xf32>
    tpu.vector_store %arg9[%swap3A], %swap3A_105 {strides = array<i32>} : memref<16xf32, #tpu.memory_space<vmem>>, vector<16xf32>,
    %swap3A_106 = arith.constant 0 : index
    %swap3A_107 = tpu.vector_load %arg10[%swap3A_106] {strides = array<i32>} : memref<16xf32, #tpu.memory_space<vmem>>, vector<16xf32>,
    %swap3A_108 = vector.shape_cast %swap3A_107 : vector<16xf32> to vector<16xf32>
    %swap3A_109 = vector.shape_cast %parallel_loop3A_102#1 : vector<16xf32> to vector<16xf32>
    tpu.vector_store %arg10[%swap3A_106], %swap3A_109 {strides = array<i32>} : memref<16xf32, #tpu.memory_space<vmem>>, vector<16xf32>,
    %run_scoped3A = arith.constant 0 : i32
    "tpu.region"() ({
      %run_scoped3A_111 = tpu.sem_alloc : memref<!tpu.dma_semaphore, #tpu.memory_space<semaphore_mem>>
      %dma_start3A_112 = arith.constant 0 : i32
      %dma_start3A_113 = tpu.memref_slice %arg4[%add3A, %run_scoped3A, %dma_start3A_112] : memref<32x2x16xf32, #tpu.memory_space<hbm>> -> memref<1x1x16xf32, #tpu.memory_space<hbm>>
      %dma_start3A_114 = tpu.memref_squeeze %dma_start3A_113 : memref<1x1x16xf32, #tpu.memory_space<hbm>> -> memref<16xf32, #tpu.memory_space<hbm>>
      %dma_start3A_115 = arith.constant 0 : i32
      %dma_start3A_116 = tpu.memref_slice %arg4[%add3A, %run_scoped3A, %dma_start3A_115] : memref<32x2x16xf32, #tpu.memory_space<hbm>> -> memref<1x1x16xf32, #tpu.memory_space<hbm>>
      %dma_start3A_117 = tpu.memref_squeeze %dma_start3A_116 : memref<1x1x16xf32, #tpu.memory_space<hbm>> -> memref<16xf32, #tpu.memory_space<hbm>>
      tpu.enqueue_dma source(%arg9 : memref<16xf32, #tpu.memory_space<vmem>>) target(%dma_start3A_117 : memref<16xf32, #tpu.memory_space<hbm>>) target_semaphore(%run_scoped3A_111 : memref<!tpu.dma_semaphore, #tpu.memory_space<semaphore_mem>>)
      %dma_wait3A_118 = arith.constant 0 : i32
      %dma_wait3A_119 = tpu.memref_slice %arg4[%add3A, %run_scoped3A, %dma_wait3A_118] : memref<32x2x16xf32, #tpu.memory_space<hbm>> -> memref<1x1x16xf32, #tpu.memory_space<hbm>>
      %dma_wait3A_120 = tpu.memref_squeeze %dma_wait3A_119 : memref<1x1x16xf32, #tpu.memory_space<hbm>> -> memref<16xf32, #tpu.memory_space<hbm>>
      %dma_wait3A_121 = arith.constant 0 : i32
      %dma_wait3A_122 = tpu.memref_slice %arg4[%add3A, %run_scoped3A, %dma_wait3A_121] : memref<32x2x16xf32, #tpu.memory_space<hbm>> -> memref<1x1x16xf32, #tpu.memory_space<hbm>>
      %dma_wait3A_123 = tpu.memref_squeeze %dma_wait3A_122 : memref<1x1x16xf32, #tpu.memory_space<hbm>> -> memref<16xf32, #tpu.memory_space<hbm>>
      tpu.wait_dma2 semaphore(%run_scoped3A_111 : memref<!tpu.dma_semaphore, #tpu.memory_space<semaphore_mem>>) src(%arg9 : memref<16xf32, #tpu.memory_space<vmem>>) dst(%dma_wait3A_123 : memref<16xf32, #tpu.memory_space<hbm>>)
      tpu.yield
    }) : () -> ()
    %run_scoped3A_110 = arith.constant 1 : i32
    "tpu.region"() ({
      %run_scoped3A_111 = tpu.sem_alloc : memref<!tpu.dma_semaphore, #tpu.memory_space<semaphore_mem>>
      %dma_start3A_112 = arith.constant 0 : i32
      %dma_start3A_113 = tpu.memref_slice %arg4[%add3A, %run_scoped3A_110, %dma_start3A_112] : memref<32x2x16xf32, #tpu.memory_space<hbm>> -> memref<1x1x16xf32, #tpu.memory_space<hbm>>
      %dma_start3A_114 = tpu.memref_squeeze %dma_start3A_113 : memref<1x1x16xf32, #tpu.memory_space<hbm>> -> memref<16xf32, #tpu.memory_space<hbm>>
      %dma_start3A_115 = arith.constant 0 : i32
      %dma_start3A_116 = tpu.memref_slice %arg4[%add3A, %run_scoped3A_110, %dma_start3A_115] : memref<32x2x16xf32, #tpu.memory_space<hbm>> -> memref<1x1x16xf32, #tpu.memory_space<hbm>>
      %dma_start3A_117 = tpu.memref_squeeze %dma_start3A_116 : memref<1x1x16xf32, #tpu.memory_space<hbm>> -> memref<16xf32, #tpu.memory_space<hbm>>
      tpu.enqueue_dma source(%arg10 : memref<16xf32, #tpu.memory_space<vmem>>) target(%dma_start3A_117 : memref<16xf32, #tpu.memory_space<hbm>>) target_semaphore(%run_scoped3A_111 : memref<!tpu.dma_semaphore, #tpu.memory_space<semaphore_mem>>)
      %dma_wait3A_118 = arith.constant 0 : i32
      %dma_wait3A_119 = tpu.memref_slice %arg4[%add3A, %run_scoped3A_110, %dma_wait3A_118] : memref<32x2x16xf32, #tpu.memory_space<hbm>> -> memref<1x1x16xf32, #tpu.memory_space<hbm>>
      %dma_wait3A_120 = tpu.memref_squeeze %dma_wait3A_119 : memref<1x1x16xf32, #tpu.memory_space<hbm>> -> memref<16xf32, #tpu.memory_space<hbm>>
      %dma_wait3A_121 = arith.constant 0 : i32
      %dma_wait3A_122 = tpu.memref_slice %arg4[%add3A, %run_scoped3A_110, %dma_wait3A_121] : memref<32x2x16xf32, #tpu.memory_space<hbm>> -> memref<1x1x16xf32, #tpu.memory_space<hbm>>
      %dma_wait3A_123 = tpu.memref_squeeze %dma_wait3A_122 : memref<1x1x16xf32, #tpu.memory_space<hbm>> -> memref<16xf32, #tpu.memory_space<hbm>>
      tpu.wait_dma2 semaphore(%run_scoped3A_111 : memref<!tpu.dma_semaphore, #tpu.memory_space<semaphore_mem>>) src(%arg10 : memref<16xf32, #tpu.memory_space<vmem>>) dst(%dma_wait3A_123 : memref<16xf32, #tpu.memory_space<hbm>>)
      tpu.yield
    }) : () -> ()
    return
  }
}

module attributes {stable_mosaic.version = 14 : i64} {
  func.func @_tc_body(%arg0: i32, %arg1: memref<1x1x384x512xf32, #tpu.memory_space<vmem>>, %arg2: memref<1x1x384x512xi32, #tpu.memory_space<vmem>>, %arg3: memref<1x1x2xf32, #tpu.memory_space<vmem>>) attributes {dimension_semantics = [#tpu.dimension_semantics<arbitrary>], iteration_bounds = array<i64: 8>, scalar_prefetch = 0 : i64, scratch_operands = 0 : i64, tpu.core_type = #tpu.core_type<tc>, window_params = [{transform_indices = @transform_0, window_bounds = array<i64: 1, 1, 384, 512>}, {transform_indices = @transform_1, window_bounds = array<i64: 1, 1, 384, 512>}, {transform_indices = @transform_2, window_bounds = array<i64: 1, 1, 2>}]} {
    %get3A = arith.constant 0 : index
    %get3A_0 = arith.constant 0 : index
    %get3A_1 = arith.constant 0 : index
    %get3A_2 = arith.constant 0 : index
    %get3A_3 = vector.load %arg1[%get3A, %get3A_0, %get3A_1, %get3A_2] : memref<1x1x384x512xf32, #tpu.memory_space<vmem>>, vector<1x1x384x512xf32>
    %get3A_4 = vector.shape_cast %get3A_3 : vector<1x1x384x512xf32> to vector<384x512xf32>
    %get3A_5 = arith.constant 0 : index
    %get3A_6 = arith.constant 0 : index
    %get3A_7 = arith.constant 0 : index
    %get3A_8 = arith.constant 0 : index
    %get3A_9 = vector.load %arg2[%get3A_5, %get3A_6, %get3A_7, %get3A_8] : memref<1x1x384x512xi32, #tpu.memory_space<vmem>>, vector<1x1x384x512xi32>
    %get3A_10 = vector.shape_cast %get3A_9 : vector<1x1x384x512xi32> to vector<384x512xi32>
    %eq3A = arith.constant 1 : i32
    %eq3A_11 = vector.broadcast %eq3A : i32 to vector<384x512xi32>
    %eq3A_12 = arith.cmpi eq, %get3A_10, %eq3A_11 : vector<384x512xi32>
    %neg3A = arith.constant 0.000000e+00 : f32
    %neg3A_13 = vector.broadcast %neg3A : f32 to vector<384x512xf32>
    %neg3A_14 = arith.subf %neg3A_13, %get3A_4 : vector<384x512xf32>
    %select_n3A = arith.select %eq3A_12, %neg3A_14, %get3A_4 : vector<384x512xi1>, vector<384x512xf32>
    %max3A = arith.constant 0.000000e+00 : f32
    %max3A_15 = vector.broadcast %max3A : f32 to vector<384x512xf32>
    %max3A_16 = arith.maximumf %select_n3A, %max3A_15 : vector<384x512xf32>
    %abs3A = math.absf %get3A_4 : vector<384x512xf32>
    %neg3A_17 = arith.constant 0.000000e+00 : f32
    %neg3A_18 = vector.broadcast %neg3A_17 : f32 to vector<384x512xf32>
    %neg3A_19 = arith.subf %neg3A_18, %abs3A : vector<384x512xf32>
    %exp3A = math.exp %neg3A_19 : vector<384x512xf32>
    %log1p3A = math.log1p %exp3A : vector<384x512xf32>
    %add3A = arith.addf %max3A_16, %log1p3A : vector<384x512xf32>
    %ge3A = arith.constant -0.847297847 : f32
    %ge3A_20 = vector.broadcast %ge3A : f32 to vector<384x512xf32>
    %ge3A_21 = arith.cmpf oge, %select_n3A, %ge3A_20 : vector<384x512xf32>
    %jit3A = arith.constant 0.000000e+00 : f32
    %broadcast_in_dim3A = vector.broadcast %jit3A : f32 to vector<384x512xf32>
    %select_n3A_22 = arith.select %ge3A_21, %add3A, %broadcast_in_dim3A : vector<384x512xi1>, vector<384x512xf32>
    %reduce_sum3A = vector.shape_cast %select_n3A_22 : vector<384x512xf32> to vector<1x384x512xf32>
    %reduce_sum3A_23 = arith.constant dense<0.000000e+00> : vector<1xf32>
    %reduce_sum3A_24 = vector.multi_reduction <add>, %reduce_sum3A, %reduce_sum3A_23 [1, 2] : vector<1x384x512xf32> to vector<1xf32>
    %reduce_sum3A_25 = vector.shape_cast %reduce_sum3A_24 : vector<1xf32> to vector<1x1x1xf32>
    %reduce_sum3A_26 = vector.extract %reduce_sum3A_25[0, 0, 0] : f32 from vector<1x1x1xf32>
    %jit3A_27 = arith.constant 1.000000e+00 : f32
    %jit3A_28 = arith.constant 0.000000e+00 : f32
    %broadcast_in_dim3A_29 = vector.broadcast %jit3A_27 : f32 to vector<384x512xf32>
    %broadcast_in_dim3A_30 = vector.broadcast %jit3A_28 : f32 to vector<384x512xf32>
    %select_n3A_31 = arith.select %ge3A_21, %broadcast_in_dim3A_29, %broadcast_in_dim3A_30 : vector<384x512xi1>, vector<384x512xf32>
    %reduce_sum3A_32 = vector.shape_cast %select_n3A_31 : vector<384x512xf32> to vector<1x384x512xf32>
    %reduce_sum3A_33 = arith.constant dense<0.000000e+00> : vector<1xf32>
    %reduce_sum3A_34 = vector.multi_reduction <add>, %reduce_sum3A_32, %reduce_sum3A_33 [1, 2] : vector<1x384x512xf32> to vector<1xf32>
    %reduce_sum3A_35 = vector.shape_cast %reduce_sum3A_34 : vector<1xf32> to vector<1x1x1xf32>
    %reduce_sum3A_36 = vector.extract %reduce_sum3A_35[0, 0, 0] : f32 from vector<1x1x1xf32>
    %stack3A = vector.broadcast %reduce_sum3A_26 : f32 to vector<1xf32>
    %stack3A_37 = vector.broadcast %reduce_sum3A_36 : f32 to vector<1xf32>
    %stack3A_38 = tpu.concatenate %stack3A, %stack3A_37 in 0 : vector<1xf32>, vector<1xf32> -> vector<2xf32>
    %reshape3A = vector.shape_cast %stack3A_38 : vector<2xf32> to vector<1x2xf32>
    %swap3A = arith.constant 0 : index
    %swap3A_39 = arith.constant 0 : index
    %swap3A_40 = arith.constant 0 : index
    %swap3A_41 = vector.load %arg3[%swap3A, %swap3A_39, %swap3A_40] : memref<1x1x2xf32, #tpu.memory_space<vmem>>, vector<1x1x2xf32>
    %swap3A_42 = vector.shape_cast %swap3A_41 : vector<1x1x2xf32> to vector<1x2xf32>
    %swap3A_43 = vector.shape_cast %reshape3A : vector<1x2xf32> to vector<1x1x2xf32>
    tpu.vector_store %arg3[%swap3A, %swap3A_39, %swap3A_40], %swap3A_43 {strides = array<i32>} : memref<1x1x2xf32, #tpu.memory_space<vmem>>, vector<1x1x2xf32>,
    return
  }
  func.func @transform_0(%arg0: i32) -> (i32, i32, i32, i32) {
    %c0_i32 = arith.constant 0 : i32
    %c0_i32_0 = arith.constant 0 : i32
    %c0_i32_1 = arith.constant 0 : i32
    %c0_i32_2 = arith.constant 0 : i32
    return %arg0, %c0_i32, %c0_i32_0, %c0_i32_1 : i32, i32, i32, i32
  }
  func.func @transform_1(%arg0: i32) -> (i32, i32, i32, i32) {
    %c0_i32 = arith.constant 0 : i32
    %c0_i32_0 = arith.constant 0 : i32
    %c0_i32_1 = arith.constant 0 : i32
    %c0_i32_2 = arith.constant 0 : i32
    return %arg0, %c0_i32, %c0_i32_0, %c0_i32_1 : i32, i32, i32, i32
  }
  func.func @transform_2(%arg0: i32) -> (i32, i32, i32) {
    %c0_i32 = arith.constant 0 : i32
    %c0_i32_0 = arith.constant 0 : i32
    %c0_i32_1 = arith.constant 0 : i32
    return %arg0, %c0_i32, %c0_i32_0 : i32, i32, i32
  }
}

</mosaic_0001>

<sc_bundles>
// kernel: kernel.4.cloned.1.call-start
scs
__scs_entry_jumppad:
0x0: {  	(pc) =	sbr.rel $0x88, $3  }
0x1: {  	(tag) =	ssettag $0x0;
	lr =	simm.s32 $0x1  }
0x2: {  	[smem:$0x3F9F] =	sst lr;
	_ =	strace $0xD0000000  }
0x3: {  	_ = 	snop  }
0x4: {  	_ = 	snop  }
0x5: {  	_ = 	snop  }
0x6: {  	_ = 	snop  }
0x7: {  	_ = 	snop  }
__scs_overlays_trampoline_lowered:
0x8: {  	[smem:$0x3FAE] =	sst s0  }
0x9: {  	[smem:$0x3FAF] =	sst s1  }
0xa: {  	[smem:$0x3FB0] =	sst s2  }
0xb: {  	[smem:$0x3FB1] =	sst s3  }
0xc: {  	[smem:$0x3FB2] =	sst s4  }
0xd: {  	[smem:$0x3FB3] =	sst s5  }
0xe: {  	[smem:$0x3FB4] =	sst s6  }
0xf: {  	[smem:$0x3FB5] =	sst s7  }
0x10: {  	[smem:$0x3FB6] =	sst s8  }
0x11: {  	[smem:$0x3FB7] =	sst s9;
	s0 =	simm.s32 @!p0 $0x0  }
0x12: {  	s1 =	sld [smem:$0x3F9D];
	s0 =	simm.s32 @p0 $0x1  }
0x13: {  	[smem:$0x3FB8] =	sst s0;
	s0 =	simm.s32 @!p1 $0x0  }
0x14: {  	s2 =	sld [smem:$0x3F9C];
	s0 =	simm.s32 @p1 $0x1  }
0x15: {  	[smem:$0x3FB9] =	sst s0;
	s0 =	simm.s32 @!p2 $0x0  }
0x16: {  	s3 =	sld [smem:$0x3FDB];
	s0 =	simm.s32 @p2 $0x1  }
0x17: {  	s4 =	simm.s32 $0x1BF5;
	[smem:$0x3FBB] =	sst s0  }
0x18: {  	s0 =	sld [smem:$0x3F9E];
	_ =	swait.ge [sflag:s4], $0x0  }
0x19: {  	s7 =	sld [smem:$0x3F9F]  }
0x1a: {  	s8 =	sadd.s32 $0xFFFFE003, lr  }
0x1b: {  	s9 =	sadd.s32 $0xFFFFFEF7, lr;
	s5 =	simm.s32 $0xFFFFFFFF;
	p2 =	slt.u32 s8, $0xFFFFF086  }
0x1c: {  	p1 =	slt.u32 s9, $0xF7A;
	s5 =	simm.s32 @!p2 $0x0  }
0x1d: {  	s5 =	simm.s32 @p1 $0x1;
	p0 =	seq.s32 s7, s2  }
0x1e: {  	s7 =	smul.u32 @!p0 $0xF7A, s2;
	p2 =	seq.s32 @!p0 s5, $0x0  }
0x1f: {  	s9 =	smul.u32 $0xF7A, s1;
	s8 =	simm.s32 @!p0 $0x1BF5;
	p2 =	por !p2, p0  }
0x20: {  	[sflag:s8] =	ssyncset.s32 @!p0 $0xFFFFF086;
	s6 =	sadd.s32 @!p0 s3, s7;
	s7 =	simm.s32 @!p0 $0x108  }
0x21: {  	s3 =	sadd.s32 s3, s9;
	s6 =	sadd.s32 @!p0 $0x88, s6;
	s7 =	simm.s32 @p2 $0x1082  }
0x22: {  	[simem:s7], [sflag:s8] =	dma.local @!p0 [hbm:s6], $0xF7A  }
0x23: {  	s9 =	sor.u32 $0xD0000000, s2;
	s6 =	simm.s32 $0x108;
	_ =	swait.ge @!p0 [sflag:s8], $0x0  }
0x24: {  	s3 =	sadd.s32 $0x88, s3;
	s6 =	simm.s32 @!p1 $0x1082;
	[sflag:s4] =	ssyncset.s32 $0xFFFFF086  }
0x25: {  	[simem:s6], [sflag:s4] =	dma.local [hbm:s3], $0xF7A  }
0x26: {  	[smem:$0x3F9F] =	sst s1;
	(tag) =	ssettag s2;
	_ =	strace s9  }
0x27: {  	s1 =	sld [smem:$0x3FAF]  }
0x28: {  	s2 =	sld [smem:$0x3FB0]  }
0x29: {  	s4 =	sld [smem:$0x3FB2]  }
0x2a: {  	p0 =	seq.s32 s5, $0x0;
	s5 =	sld [smem:$0x3FB3]  }
0x2b: {  	s6 =	sld [smem:$0x3FB4]  }
0x2c: {  	s7 =	sld [smem:$0x3FB5]  }
0x2d: {  	s3 =	simm.s32 $0x108;
	s8 =	sld [smem:$0x3FB6]  }
0x2e: {  	s3 =	simm.s32 @!p0 $0x1082;
	s9 =	sld [smem:$0x3FB7]  }
0x2f: {  	lr =	sadd.s32 s0, s3;
	s0 =	sld [smem:$0x3FAE]  }
0x30: {  	s3 =	sld [smem:$0x3FB1]  }
0x31: {  	[smem:$0x3FBA] =	sst s10  }
0x32: {  	s10 =	sld [smem:$0x3FB8];
	_ =	sdelay $0x3  }
0x33: {  	p0 =	seq.s32 s10, $0x1;
	s10 =	sld [smem:$0x3FBA];
	_ =	sdelay $0x3  }
0x34: {  	[smem:$0x3FBA] =	sst s10  }
0x35: {  	s10 =	sld [smem:$0x3FB9];
	_ =	sdelay $0x3  }
0x36: {  	p1 =	seq.s32 s10, $0x1;
	s10 =	sld [smem:$0x3FBA];
	_ =	sdelay $0x3  }
0x37: {  	[smem:$0x3FBA] =	sst s10  }
0x38: {  	s10 =	sld [smem:$0x3FBB]  }
0x39: {  	_ = 	snop;
	(pc) =	sbr.ind lr, $3  }
0x3a: {  	_ = 	snop  }
0x3b: {  	_ = 	snop  }
0x3c: {  	p2 =	seq.s32 s10, $0x1;
	s10 =	sld [smem:$0x3FBA]  }
0x3d: {  	_ =	shalt  }
0x3e: {  	_ =	shalt  }
0x3f: {  	_ =	shalt  }
0x40: {  	_ =	shalt  }
0x41: {  	_ =	shalt  }
0x42: {  	_ =	shalt  }
0x43: {  	_ =	shalt  }
0x44: {  	_ =	shalt  }
0x45: {  	_ =	shalt  }
0x46: {  	_ =	shalt  }
0x47: {  	_ =	shalt  }
0x48: {  	_ =	shalt  }
0x49: {  	_ =	shalt  }
0x4a: {  	_ =	shalt  }
0x4b: {  	_ =	shalt  }
0x4c: {  	_ =	shalt  }
0x4d: {  	_ =	shalt  }
0x4e: {  	_ =	shalt  }
0x4f: {  	_ =	shalt  }
0x50: {  	_ =	shalt  }
0x51: {  	_ =	shalt  }
0x52: {  	_ =	shalt  }
0x53: {  	_ =	shalt  }
0x54: {  	_ =	shalt  }
0x55: {  	_ =	shalt  }
0x56: {  	_ =	shalt  }
0x57: {  	_ =	shalt  }
0x58: {  	_ =	shalt  }
0x59: {  	_ =	shalt  }
0x5a: {  	_ =	shalt  }
0x5b: {  	_ =	shalt  }
0x5c: {  	_ =	shalt  }
0x5d: {  	_ =	shalt  }
0x5e: {  	_ =	shalt  }
0x5f: {  	_ =	shalt  }
0x60: {  	_ =	shalt  }
0x61: {  	_ =	shalt  }
0x62: {  	_ =	shalt  }
0x63: {  	_ =	shalt  }
0x64: {  	_ =	shalt  }
0x65: {  	_ =	shalt  }
0x66: {  	_ =	shalt  }
0x67: {  	_ =	shalt  }
0x68: {  	_ =	shalt  }
0x69: {  	_ =	shalt  }
0x6a: {  	_ =	shalt  }
0x6b: {  	_ =	shalt  }
0x6c: {  	_ =	shalt  }
0x6d: {  	_ =	shalt  }
0x6e: {  	_ =	shalt  }
0x6f: {  	_ =	shalt  }
0x70: {  	_ =	shalt  }
0x71: {  	_ =	shalt  }
0x72: {  	_ =	shalt  }
0x73: {  	_ =	shalt  }
0x74: {  	_ =	shalt  }
0x75: {  	_ =	shalt  }
0x76: {  	_ =	shalt  }
0x77: {  	_ =	shalt  }
0x78: {  	_ =	shalt  }
0x79: {  	_ =	shalt  }
0x7a: {  	_ =	shalt  }
0x7b: {  	_ =	shalt  }
0x7c: {  	_ =	shalt  }
0x7d: {  	_ =	shalt  }
0x7e: {  	_ =	shalt  }
0x7f: {  	_ =	shalt  }
0x80: {  	_ =	shalt  }
0x81: {  	_ =	shalt  }
0x82: {  	_ =	shalt  }
0x83: {  	_ =	shalt  }
0x84: {  	_ =	shalt  }
0x85: {  	_ =	shalt  }
0x86: {  	_ =	shalt  }
0x87: {  	_ =	shalt  }
.Lfunc_end0:
.L_simem_size_0:
called_computation_lowered:
.L_overlay_start_0:
0x88: {  	s2 =	sld [smem:$0x3FD9]  }
0x89: {  	s3 =	sld [smem:$0x3FFE];
	_ =	sdelay $0x1  }
0x8a: {  	s1 =	srdreg.scid  }
0x8b: {  	s0 =	sand.u32 $0x1, s1  }
0x8c: {  	s17 =	sshll.u32 s0, $0xA;
	s2 =	sadd.s32 s3, s2  }
0x8d: {  	s2 =	sadd.s32 s2, s17  }
0x8e: {  	[smem:$0x3FC6] =	sst s2  }
0x8f: {  	_ = 	snop  }
0x90: {  	s2 =	sld [smem:$0x3FC9]  }
0x91: {  	s18 =	sld [smem:$0x3FC8];
	(tm) =	ssettm $0x1  }
0x92: {  	s4 =	sld [smem:$0x3FFB];
	_ =	sdelay $0x3  }
0x93: {  	_ =	strace s4  }
0x94: {  	s4 =	sld [smem:$0x3FFC];
	_ =	sdelay $0x3  }
0x95: {  	_ =	strace s4  }
0x96: {  	s4 =	sld [smem:$0x3FFD];
	_ =	sdelay $0x3  }
0x97: {  	_ =	strace s4  }
0x98: {  	_ =	strace $0x8FFFFFFF  }
0x99: {  	s19 =	sld [smem:$0x3FDB];
	_ =	sdelay $0x1  }
0x9a: {  	s5 =	simm.s32 $_scs_section_size  }
0x9b: {  	s6 =	simm.s32 $_size__tile_overlayer_lowered;
	s7 =	simm.s32 $_tile_overlayer_lowered  }
0x9c: {  	s22 =	simm.s32 $0x1BFF;
	s21 =	sshll.u32 s7, $0x1;
	s4 =	sadd.s32 s5, s19  }
0x9d: {  	s8 =	simm.s32 $0x0;
	s20 =	sshll.u32 s6, $0x1;
	s6 =	sadd.s32 s21, s4  }
0x9e: {  	[timem:s8], [sflag:s22] =	dma.local [hbm:s6], s20  }
0x9f: {  	_ =	swait.ge [sflag:s22], s20  }
0xa0: {  	s5 =	ssub.s32 $0x0, s20;
	[sflag:s22] =	ssyncset.done $0x0  }
0xa1: {  	[sflag:s22] =	ssyncadd.s32 s5;
	_ =	sdelay $0x1  }
0xa2: {  	s23 =	simm.s32 $0x1B8B  }
0xa3: {  	_ =	swait.ge [sflag:s23], $0x1  }
0xa4: {  	[sflag:s23] =	ssyncset.done $0x0  }
0xa5: {  	s25 =	simm.s32 $0x1B8E;
	s24 =	sld [smem:$0x3FFE];
	[sflag:s23] =	ssyncadd.s32 $0xFFFFFFFF  }
0xa6: {  	s26 =	simm.s32 $execute0_lowered;
	[smem:$0x3FD2] =	sst s25  }
0xa7: {  	s6 =	sshll.u32 s26, $0x1;
	_ =	strace $0x80000046;
	[dreg:$0x1] =	wrdreg $0xFFFFFFFF  }
0xa8: {  	s28 =	simm.s32 $_size_execute0_lowered;
	s4 =	sadd.s32 s4, s6;
	[dreg:$0x0] =	wrdreg $0x0  }
0xa9: {  	s6 =	sshll.u32 s28, $0x1;
	[dreg:$0x2] =	wrdreg s4  }
0xaa: {  	[dreg:$0x3] =	wrdreg s6  }
0xab: {  	[dreg:$0x4] =	wrdreg $0xC0  }
0xac: {  	_ =	task [dreg:s8], $0x5FFFF  }
0xad: {  	[dreg:$0x1] =	wrdreg $0xFFFFFFFF  }
0xae: {  	[dreg:$0x0] =	wrdreg $0x60  }
0xaf: {  	[dreg:$0x2] =	wrdreg s2  }
0xb0: {  	[dreg:$0x3] =	wrdreg s18  }
0xb1: {  	[dreg:$0x4] =	wrdreg s24  }
0xb2: {  	[dreg:$0x5] =	wrdreg $0x9  }
0xb3: {  	_ =	task.clear_ibuf [dreg:s8], $0x6FFFF;
	_ =	strace $0x90000046  }
0xb4: {  	s29 =	simm.s32 $0x9;
	_ =	strace $0x80000048  }
0xb5: {  	_ =	swait.ge [sflag:s29], $0x1  }
0xb6: {  	[sflag:s29] =	ssyncadd.s32 $0xFFFFFFFF  }
0xb7: {  	_ =	strace $0x90000048  }
0xb8: {  	_ =	sfence  }
0xb9: {  	s30 =	sld [smem:$0x0];
	_ =	sdelay $0x2  }
0xba: {  	s31 =	sshll.u32 s1, $0xD;
	s1 =	sshrl.u32 s1, $0x2  }
0xbb: {  	s3 =	sand.u32 $0x4000, s31;
	s1 =	sadd.s32 s1, s30  }
0xbc: {  	s0 =	sor.u32 s3, s0;
	s1 =	sshll.u32 s1, $0x11  }
0xbd: {  	s0 =	sor.u32 s1, s0  }
0xbe: {  	s0 =	sadd.s32 $0x8F2B, s0  }
0xbf: {  	[sflag:s0] =	ssyncadd.remote.s32 $0x1  }
0xc0: {  	_ =	sfence.sel $0xFFFF  }
0xc1: {  	[dreg:$0x0] =	wrdreg $0xFFFFFFFF;
	(pc) =	sbr.abs _section_cstart, $3  }
0xc2: {  	[dreg:$0x1] =	wrdreg $0xFFFFFFFF  }
0xc3: {  	_ =	task.clear_ibuf [dreg:s8], $0x2FFFF;
	_ =	strace $0x9FFFFFFF  }
0xc4: {  	(tm) =	ssettm $0x7FFFFFFF  }
0xc5: {  	_ =	shalt  }
tec
execute0_lowered:
.L_overlay_start_1:
0x0: {  	(tag) =	ssettag $0x1  }
0x1: {  	s5 =	rddreg [dreg:$0x0]  }
0x2: {  	s1 =	srdreg.scid;
	s7 =	rddreg [dreg:$0x1]  }
0x3: {  	s0 =	stileid.u32;
	s6 =	rddreg [dreg:$0x2]  }
0x4: {  	s2 =	simm.s32 $0x0;
	s12 =	simm.s32 $0x6000;
	s13 =	simm.s32 $0x1  }
0x5: {  	s14 =	simm.s32 $0x2;
	s15 =	simm.s32 $0x8000;
	s16 =	simm.s32 $0x3  }
0x6: {  	s17 =	simm.s32 $0x8080;
	s18 =	simm.s32 $0x0;
	s3 =	sand.u32 $0x1, s1  }
0x7: {  	s30 =	sshll.u32 s0, $0x1;
	s1 =	rddreg [dreg:$0x3];
	s9 =	sshll.u32 s0, $0x11  }
0x8: {  	[smem:$0x7FF] =	sst s2;
	s4 =	sor.u32 s3, s30;
	s3 =	ssub.s32 $0x2, s3  }
0x9: {  	_ =	strace $0x80000047;
	s8 =	sshll.u32 s4, $0xB;
	s31 =	sshrl.u32 s3, $0x1  }
0xa: {  	s11 =	sshll.u32 s4, $0x5;
	s8 =	sor.u32 s9, s8;
	s9 =	ssub.s32 s3, s31  }
0xb: {  	s6 =	sadd.s32 s6, s11;
	s11 =	simm.s32 $0x4000;
	s8 =	sand.u32 $0x1C1800, s8  }
0xc: {  	s9 =	smax.u32 s9, $0x1;
	s10 =	sor.u32 $0x6000, s8;
	s8 =	sor.u32 $0x6400, s8  }
0xd: {  	s3 =	sadd.s32 s5, s10;
	s4 =	sadd.s32 s7, s10;
	s5 =	sadd.s32 s5, s8  }
0xe: {  	v0 =	vimm.f32 $0.0e+00;
	s7 =	sadd.s32 s7, s8;
	s8 =	sadd.s32 $0x10, s6;
	s10 =	simm.s32 $0x2000  }
.LBB2_1:
0xf: {  	[tilespmem:s2], [sflag:$0x1] =	stream.linear.gather [hbm4b:s3+s2], $0x2000, $0x38;
	[tilespmem:$0x8100] =	vst v63  }
0x10: {  	_ = 	snop  }
0x11: {  	[tilespmem:s10], [sflag:$0x1] =	stream.linear.gather [hbm4b:s4+s2], $0x2000, $0x38;
	[tilespmem:$0x8100] =	vst v63  }
0x12: {  	_ = 	snop  }
0x13: {  	[tilespmem:s11], [sflag:$0x2] =	stream.linear.gather [hbm4b:s5+s2], $0x2000, $0x38;
	[tilespmem:$0x8100] =	vst v63  }
0x14: {  	_ = 	snop  }
0x15: {  	[tilespmem:s12], [sflag:$0x2] =	stream.linear.gather [hbm4b:s7+s2], $0x2000, $0x38;
	[tilespmem:$0x8100] =	vst v63  }
0x16: {  	_ =	swait.ge [sflag:s13], $0x2000  }
0x17: {  	s19 =	sand.u32 $0x70, s2;
	s20 =	simm.s32 $0x0;
	[sflag:s13] =	ssyncset.done $0x0  }
0x18: {  	s21 =	sand.u32 $0xC00, s2;
	s22 =	simm.s32 $0x0;
	[sflag:s13] =	ssyncadd.s32 $0xFFFFE000  }
0x19: {  	s20 =	sand.u32 $0x1000, s20;
	s19 =	sor.u32 s21, s19;
	_ =	swait.ge [sflag:s13], $0x2000  }
0x1a: {  	s25 =	sand.u32 $0x380, s22;
	s19 =	sor.u32 s20, s19;
	[sflag:s13] =	ssyncset.done $0x0  }
0x1b: {  	s22 =	sor.u32 s25, s19;
	[sflag:s13] =	ssyncadd.s32 $0xFFFFE000  }
0x1c: {  	v1 =	vld [tilespmem:s22+$0x0];
	_ =	sdelay $0x1  }
0x1d: {  	s26 =	simm.s32 $0x10;
	s29 =	simm.s32 $0x80  }
0x1e: {  	s30 =	simm.s32 $0x10;
	s20 =	sand.u32 $0xC00, s29;
	s19 =	sand.u32 $0x70, s26  }
0x1f: {  	s23 =	simm.s32 $0x4;
	s21 =	sand.u32 $0x1000, s30;
	s19 =	sor.u32 s20, s19  }
0x20: {  	s31 =	sand.u32 $0x380, s23;
	s19 =	sor.u32 s21, s19;
	v2 =	vand.u32 $0x7FFFFFFF, v1  }
0x21: {  	s23 =	sor.u32 s31, s19;
	v2 =	vsub.f32 $0.0e+00, v2  }
0x22: {  	v5 =	vld [tilespmem:s23+$0x0]  }
0x23: {  	v2 =	vmul.f32 $1.442695020e+00, v2  }
0x24: {  	s24 =	simm.s32 $0x100;
	s21 =	simm.s32 $0x20  }
0x25: {  	s25 =	simm.s32 $0x20;
	s20 =	sand.u32 $0xC00, s24;
	s19 =	sand.u32 $0x70, s21;
	(erf) = vpow2.f32 v2  }
0x26: {  	s24 =	simm.s32 $0x8;
	s21 =	sand.u32 $0x1000, s25;
	s19 =	sor.u32 s20, s19  }
0x27: {  	s26 =	sand.u32 $0x380, s24;
	s19 =	sor.u32 s21, s19;
	v2 =	vand.u32 $0x7FFFFFFF, v5  }
0x28: {  	s19 =	sor.u32 s26, s19;
	v2 =	vsub.f32 $0.0e+00, v2  }
0x29: {  	v4 =	vld [tilespmem:s19+$0x0]  }
0x2a: {  	v2 =	vmul.f32 $1.442695020e+00, v2;
	_ =	sdelay $0x1  }
0x2b: {  	(erf) = vpow2.f32 v2;
	_ =	sdelay $0x1  }
0x2c: {  	s30 =	simm.s32 $0x180;
	s29 =	simm.s32 $0x30;
	v3 =	vand.u32 $0x7FFFFFFF, v4;
	v2 =	vpop (erf)  }
0x2d: {  	s31 =	simm.s32 $0x30;
	s20 =	sand.u32 $0x70, s29;
	s21 =	sand.u32 $0xC00, s30;
	v6 =	vadd.f32 $1.000000000e+00, v2;
	v2 =	vsub.f32 $0.0e+00, v3  }
0x2e: {  	s25 =	simm.s32 $0xC;
	s24 =	sand.u32 $0x1000, s31;
	s20 =	sor.u32 s21, s20  }
0x2f: {  	s25 =	sand.u32 $0x380, s25;
	s20 =	sor.u32 s24, s20;
	v2 =	vmul.f32 $1.442695020e+00, v2  }
0x30: {  	s20 =	sor.u32 s25, s20;
	v7 =	vmul.f32 $-5.545931310e-02, v6  }
0x31: {  	v3 =	vld [tilespmem:s20+$0x0]  }
0x32: {  	v7 =	vadd.f32 $4.405027330e-01, v7  }
0x33: {  	s29 =	simm.s32 $0x200;
	s30 =	simm.s32 $0x40;
	s26 =	simm.s32 $0x40;
	(erf) = vpow2.f32 v2;
	v2 =	vpop (erf)  }
0x34: {  	s21 =	sand.u32 $0x70, s26;
	s24 =	sand.u32 $0xC00, s29;
	s26 =	simm.s32 $0x10;
	v7 =	vmul.f32 v7, v6;
	v8 =	vadd.f32 $1.000000000e+00, v2  }
0x35: {  	s25 =	sand.u32 $0x1000, s30;
	s21 =	sor.u32 s24, s21;
	s31 =	sand.u32 $0x380, s26  }
0x36: {  	s21 =	sor.u32 s25, s21;
	v2 =	vand.u32 $0x7FFFFFFF, v3;
	v7 =	vadd.f32 $-1.455194830e+00, v7;
	v10 =	vmul.f32 $-5.545931310e-02, v8  }
0x37: {  	s21 =	sor.u32 s31, s21;
	v11 =	vld [tilespmem:s22+$0x2000];
	v9 =	vsub.f32 $0.0e+00, v2  }
0x38: {  	v2 =	vld [tilespmem:s21+$0x0];
	v7 =	vmul.f32 v7, v6;
	v10 =	vadd.f32 $4.405027330e-01, v10  }
0x39: {  	v9 =	vmul.f32 $1.442695020e+00, v9  }
0x3a: {  	v7 =	vadd.f32 $2.806980610e+00, v7  }
0x3b: {  	s29 =	simm.s32 $0x280;
	s26 =	simm.s32 $0x50;
	s30 =	simm.s32 $0x50;
	(erf) = vpow2.f32 v9;
	v9 =	vmul.f32 v10, v8  }
0x3c: {  	s24 =	sand.u32 $0xC00, s29;
	s25 =	sand.u32 $0x1000, s30;
	s22 =	sand.u32 $0x70, s26;
	v12 =	vsub.f32 $0.0e+00, v1;
	vm0 =	veq.s32 v11, $0x1;
	v6 =	vmul.f32 v7, v6;
	v10 =	vpop (erf)  }
0x3d: {  	s31 =	simm.s32 $0x14;
	v14 =	vld [tilespmem:s23+$0x2000];
	s22 =	sor.u32 s24, s22;
	v7 =	vand.u32 $0x7FFFFFFF, v2;
	v9 =	vadd.f32 $-1.455194830e+00, v9;
	v10 =	vadd.f32 $1.000000000e+00, v10  }
0x3e: {  	s29 =	sand.u32 $0x380, s31;
	s22 =	sor.u32 s25, s22;
	v11 =	vsel vm0, v12, v1;
	v7 =	vsub.f32 $0.0e+00, v7;
	v6 =	vadd.f32 $-1.736759780e+00, v6  }
0x3f: {  	s22 =	sor.u32 s29, s22;
	v12 =	vmax.f32 v11, $0.0e+00;
	v9 =	vmul.f32 v9, v8;
	v13 =	vmul.f32 $-5.545931310e-02, v10  }
0x40: {  	v1 =	vld [tilespmem:s22+$0x0];
	v7 =	vmul.f32 $1.442695020e+00, v7;
	v6 =	vadd.f32 v6, v12  }
0x41: {  	vm0 =	vge.f32 v11, $-8.472978470e-01;
	v9 =	vadd.f32 $2.806980610e+00, v9;
	v11 =	vadd.f32 $4.405027330e-01, v13  }
0x42: {  	vm15 =	veq.s32 v14, $0x1;
	(erf) = vpow2.f32 v7  }
0x43: {  	s23 =	simm.s32 $0x60;
	s24 =	simm.s32 $0x300;
	v6 =	vnsel vm0, $0x0, v6;
	v13 =	vsub.f32 $0.0e+00, v5;
	v15 =	vmul.f32 v9, v8  }
0x44: {  	s30 =	simm.s32 $0x60;
	s25 =	sand.u32 $0x70, s23;
	s28 =	sand.u32 $0xC00, s24;
	v12 =	vsel vm0, $0x3F800000, v0;
	v6 =	vadd.f32 v6, v0;
	v7 =	vmul.f32 v11, v10  }
0x45: {  	s31 =	simm.s32 $0x18;
	s29 =	sand.u32 $0x1000, s30;
	s25 =	sor.u32 s28, s25;
	v9 =	vand.u32 $0x7FFFFFFF, v1;
	v13 =	vsel vm15, v13, v5;
	v14 =	vadd.f32 $-1.736759780e+00, v15;
	v11 =	vpop (erf)  }
0x46: {  	s26 =	sand.u32 $0x380, s31;
	s28 =	sor.u32 s29, s25;
	s25 =	simm.s32 $0x7;
	v7 =	vadd.f32 $-1.455194830e+00, v7;
	v8 =	vadd.f32 $1.000000000e+00, v11;
	v11 =	vimm.f32 $0.0e+00  }
.LBB2_2:
0x47: {  	p0 =	sne.s32 s25, $0x1FF;
	s26 =	sor.u32 s26, s28;
	v5 =	vsub.f32 $0.0e+00, v9;
	v15 =	vld [tilespmem:s19+$0x2000];
	v9 =	vmax.f32 v13, $0.0e+00;
	v11 =	vadd.f32 v12, v11;
	v16 =	vmovc v2;
	v2 =	vmovc v1;
	s19 =	smov.u32 s20  }
0x48: {  	v12 =	vmul.f32 $-5.545931310e-02, v8;
	s20 =	smov.u32 s21;
	s21 =	smov.u32 s22;
	v1 =	vld [tilespmem:s26+$0x0];
	v7 =	vmul.f32 v7, v10;
	v9 =	vadd.f32 v14, v9;
	s22 =	smov.u32 s26  }
0x49: {  	vm0 =	vge.f32 v13, $-8.472978470e-01;
	v14 =	vmul.f32 $1.442695020e+00, v5  }
.Ltmp0:
0x4a: {  	v13 =	vadd.f32 $4.405027330e-01, v12;
	v7 =	vadd.f32 $2.806980610e+00, v7;
	v9 =	vnsel vm0, $0x0, v9;
	(pc) =	sbr.rel @p0 .LBB2_2-.Ltmp0, $4  }
0x4b: {  	s23 =	sadd.s32 $0x10, s23;
	s24 =	sadd.s32 $0x80, s24;
	v12 =	vsel vm0, $0x3F800000, v0;
	(erf) = vpow2.f32 v14;
	v6 =	vadd.f32 v9, v6  }
0x4c: {  	s28 =	sshll.u32 s25, $0x4;
	s26 =	sand.u32 $0x70, s23;
	s29 =	sand.u32 $0xC00, s24;
	v13 =	vmul.f32 v13, v8;
	v14 =	vsub.f32 $0.0e+00, v4;
	v5 =	vpop (erf);
	v17 =	vmul.f32 v7, v10  }
0x4d: {  	s30 =	sshll.u32 s25, $0x2;
	s28 =	sand.u32 $0x1000, s28;
	s29 =	sor.u32 s29, s26;
	vm0 =	veq.s32 v15, $0x1;
	v10 =	vmovc v8;
	v9 =	vand.u32 $0x7FFFFFFF, v1;
	v8 =	vadd.f32 $1.000000000e+00, v5  }
0x4e: {  	s25 =	sadd.s32 $0x1, s25;
	s26 =	sand.u32 $0x380, s30;
	s28 =	sor.u32 s28, s29;
	v7 =	vadd.f32 $-1.455194830e+00, v13;
	v13 =	vsel vm0, v14, v4;
	v4 =	vmovc v3;
	v3 =	vmovc v16;
	v14 =	vadd.f32 $-1.736759780e+00, v17  }
0x4f: {  	s23 =	sor.u32 s26, s28  }
0x50: {  	v5 =	vld [tilespmem:s23+$0x0];
	_ =	sdelay $0x4  }
0x51: {  	v9 =	vsub.f32 $0.0e+00, v9;
	v15 =	vand.u32 $0x7FFFFFFF, v5  }
0x52: {  	v15 =	vsub.f32 $0.0e+00, v15  }
0x53: {  	v9 =	vmul.f32 $1.442695020e+00, v9  }
0x54: {  	v15 =	vmul.f32 $1.442695020e+00, v15  }
0x55: {  	(erf) = vpow2.f32 v9  }
0x56: {  	(erf) = vpow2.f32 v15;
	_ =	sdelay $0x5  }
0x57: {  	v16 =	vld [tilespmem:s20+$0x2000]  }
0x58: {  	v19 =	vmul.f32 $-5.545931310e-02, v8;
	v21 =	vmul.f32 v7, v10;
	v17 =	vpop (erf);
	v15 =	vld [tilespmem:s19+$0x2000]  }
0x59: {  	v18 =	vld [tilespmem:s21+$0x2000];
	v20 =	vpop (erf)  }
0x5a: {  	v23 =	vmax.f32 v13, $0.0e+00;
	v7 =	vld [tilespmem:s23+$0x2000];
	v19 =	vadd.f32 $4.405027330e-01, v19;
	v21 =	vadd.f32 $2.806980610e+00, v21;
	v22 =	vpop (erf)  }
0x5b: {  	v11 =	vadd.f32 v12, v11;
	vm1 =	vge.f32 v13, $-8.472978470e-01;
	v13 =	vsub.f32 $0.0e+00, v4;
	s30 =	simm.s32 $0x0;
	v9 =	vld [tilespmem:s22+$0x2000];
	_ =	swait.ge [sflag:s14], $0x2000  }
0x5c: {  	v12 =	vadd.f32 v14, v23;
	s31 =	sand.u32 $0x70, s30;
	s23 =	simm.s32 $0x0;
	v14 =	vmul.f32 v19, v8;
	v10 =	vmul.f32 v21, v10;
	[sflag:s14] =	ssyncset.done $0x0  }
0x5d: {  	s22 =	simm.s32 $0x0;
	v17 =	vadd.f32 $1.000000000e+00, v17;
	s19 =	sand.u32 $0xC00, s30;
	vm0 =	veq.s32 v15, $0x1;
	[sflag:s14] =	ssyncadd.s32 $0xFFFFE000  }
0x5e: {  	s21 =	sand.u32 $0x1000, s22;
	v14 =	vadd.f32 $-1.455194830e+00, v14;
	v10 =	vadd.f32 $-1.736759780e+00, v10;
	s19 =	sor.u32 s19, s31;
	v4 =	vsel vm0, v13, v4;
	_ =	swait.ge [sflag:s14], $0x2000  }
0x5f: {  	s24 =	sand.u32 $0x380, s23;
	v12 =	vnsel vm1, $0x0, v12;
	s19 =	sor.u32 s21, s19;
	v15 =	vmul.f32 $-5.545931310e-02, v17;
	v13 =	vmax.f32 v4, $0.0e+00;
	[sflag:s14] =	ssyncset.done $0x0  }
0x60: {  	v6 =	vadd.f32 v12, v6;
	v14 =	vmul.f32 v14, v8;
	s22 =	sor.u32 s24, s19;
	v10 =	vadd.f32 v10, v13;
	[sflag:s14] =	ssyncadd.s32 $0xFFFFE000  }
0x61: {  	v12 =	vsel vm1, $0x3F800000, v0;
	vm0 =	vge.f32 v4, $-8.472978470e-01;
	v13 =	vadd.f32 $4.405027330e-01, v15;
	v4 =	vld [tilespmem:s22+$0x4000]  }
0x62: {  	v11 =	vadd.f32 v12, v11;
	v14 =	vadd.f32 $2.806980610e+00, v14;
	v10 =	vnsel vm0, $0x0, v10  }
0x63: {  	v12 =	vsub.f32 $0.0e+00, v3;
	v10 =	vadd.f32 v10, v6;
	v6 =	vmul.f32 v13, v17  }
0x64: {  	s25 =	simm.s32 $0x10;
	s26 =	simm.s32 $0x80;
	s29 =	simm.s32 $0x10;
	vm8 =	veq.s32 v16, $0x1;
	v8 =	vmul.f32 v14, v8;
	v13 =	vadd.f32 $1.000000000e+00, v20  }
0x65: {  	s20 =	sand.u32 $0xC00, s26;
	vm9 =	veq.s32 v18, $0x1;
	v3 =	vsel vm8, v12, v3;
	s21 =	sand.u32 $0x1000, s29;
	s19 =	sand.u32 $0x70, s25;
	v6 =	vadd.f32 $-1.455194830e+00, v6  }
0x66: {  	s30 =	simm.s32 $0x4;
	v8 =	vadd.f32 $-1.736759780e+00, v8;
	s19 =	sor.u32 s20, s19;
	v12 =	vmul.f32 $-5.545931310e-02, v13;
	v14 =	vand.u32 $0x7FFFFFFF, v4  }
0x67: {  	s31 =	sand.u32 $0x380, s30;
	s19 =	sor.u32 s21, s19;
	v15 =	vmax.f32 v3, $0.0e+00;
	v6 =	vmul.f32 v6, v17;
	v14 =	vsub.f32 $0.0e+00, v14  }
0x68: {  	vm1 =	vge.f32 v3, $-8.472978470e-01;
	s23 =	sor.u32 s31, s19;
	v8 =	vadd.f32 v8, v15;
	v3 =	vadd.f32 $4.405027330e-01, v12  }
0x69: {  	v12 =	vsel vm0, $0x3F800000, v0;
	v15 =	vadd.f32 $2.806980610e+00, v6;
	v6 =	vld [tilespmem:s23+$0x4000];
	v14 =	vmul.f32 $1.442695020e+00, v14  }
0x6a: {  	v8 =	vnsel vm1, $0x0, v8;
	v11 =	vadd.f32 v12, v11;
	v3 =	vmul.f32 v3, v13  }
0x6b: {  	v12 =	vsub.f32 $0.0e+00, v2;
	(erf) = vpow2.f32 v14;
	v14 =	vadd.f32 $1.000000000e+00, v22  }
0x6c: {  	s20 =	simm.s32 $0x20;
	s21 =	simm.s32 $0x100;
	v8 =	vadd.f32 v8, v10;
	v10 =	vmul.f32 v15, v17;
	v3 =	vadd.f32 $-1.455194830e+00, v3  }
0x6d: {  	v59 =	vsub.f32 $0.0e+00, v5;
	s24 =	simm.s32 $0x20;
	s19 =	sand.u32 $0x70, s20;
	s20 =	sand.u32 $0xC00, s21;
	v12 =	vsel vm9, v12, v2;
	v2 =	vmul.f32 $-5.545931310e-02, v14  }
0x6e: {  	s21 =	sand.u32 $0x1000, s24;
	s24 =	simm.s32 $0x8;
	s19 =	sor.u32 s20, s19;
	v10 =	vadd.f32 $-1.736759780e+00, v10;
	v3 =	vmul.f32 v3, v13;
	v15 =	vand.u32 $0x7FFFFFFF, v6  }
0x6f: {  	s25 =	sand.u32 $0x380, s24;
	s19 =	sor.u32 s21, s19;
	v56 =	vmax.f32 v12, $0.0e+00;
	v15 =	vsub.f32 $0.0e+00, v15;
	v57 =	vadd.f32 $4.405027330e-01, v2  }
0x70: {  	s19 =	sor.u32 s25, s19;
	v10 =	vadd.f32 v10, v56;
	v3 =	vadd.f32 $2.806980610e+00, v3  }
0x71: {  	vm0 =	vge.f32 v12, $-8.472978470e-01;
	v12 =	vmul.f32 $1.442695020e+00, v15;
	v2 =	vld [tilespmem:s19+$0x4000];
	v15 =	vmul.f32 v57, v14  }
0x72: {  	s26 =	simm.s32 $0x30;
	v55 =	vsel vm1, $0x3F800000, v0;
	s29 =	simm.s32 $0x180;
	v10 =	vnsel vm0, $0x0, v10;
	v3 =	vmul.f32 v3, v13  }
0x73: {  	s30 =	simm.s32 $0x30;
	s20 =	sand.u32 $0x70, s26;
	s21 =	sand.u32 $0xC00, s29;
	(erf) = vpow2.f32 v12;
	v12 =	vsub.f32 $0.0e+00, v1;
	v13 =	vadd.f32 $-1.455194830e+00, v15  }
0x74: {  	vm10 =	veq.s32 v9, $0x1;
	s24 =	sand.u32 $0x1000, s30;
	s25 =	simm.s32 $0xC;
	s20 =	sor.u32 s21, s20;
	v11 =	vadd.f32 v55, v11;
	v8 =	vadd.f32 v10, v8  }
0x75: {  	s31 =	sand.u32 $0x380, s25;
	s20 =	sor.u32 s24, s20;
	v10 =	vsel vm0, $0x3F800000, v0;
	v12 =	vsel vm10, v12, v1;
	v15 =	vpop (erf);
	v1 =	vmul.f32 v13, v14  }
0x76: {  	s20 =	sor.u32 s31, s20;
	v10 =	vadd.f32 v10, v11;
	v9 =	vand.u32 $0x7FFFFFFF, v2;
	v15 =	vadd.f32 $1.000000000e+00, v15  }
0x77: {  	v9 =	vsub.f32 $0.0e+00, v9;
	v11 =	vadd.f32 $2.806980610e+00, v1;
	v1 =	vld [tilespmem:s20+$0x4000]  }
0x78: {  	vm11 =	veq.s32 v7, $0x1;
	v3 =	vadd.f32 $-1.736759780e+00, v3;
	v58 =	vmul.f32 $-5.545931310e-02, v15  }
0x79: {  	v13 =	vmax.f32 v12, $0.0e+00;
	v9 =	vmul.f32 $1.442695020e+00, v9;
	v11 =	vmul.f32 v11, v14  }
0x7a: {  	v5 =	vsel vm11, v59, v5;
	v3 =	vadd.f32 v3, v13;
	v13 =	vadd.f32 $4.405027330e-01, v58  }
0x7b: {  	vm12 =	vge.f32 v5, $-8.472978470e-01;
	s26 =	simm.s32 $0x200;
	s25 =	simm.s32 $0x40;
	(erf) = vpow2.f32 v9  }
0x7c: {  	s29 =	simm.s32 $0x40;
	s24 =	sand.u32 $0xC00, s26;
	s21 =	sand.u32 $0x70, s25;
	vm0 =	vge.f32 v12, $-8.472978470e-01;
	v7 =	vmul.f32 v13, v15;
	v12 =	vand.u32 $0x7FFFFFFF, v1  }
0x7d: {  	s30 =	simm.s32 $0x10;
	s25 =	sand.u32 $0x1000, s29;
	s21 =	sor.u32 s24, s21;
	v60 =	vsel vm0, $0x3F800000, v0;
	v9 =	vadd.f32 $-1.736759780e+00, v11;
	v11 =	vpop (erf);
	v12 =	vsub.f32 $0.0e+00, v12  }
0x7e: {  	s31 =	sand.u32 $0x380, s30;
	s21 =	sor.u32 s25, s21;
	v3 =	vnsel vm0, $0x0, v3;
	v13 =	vld [tilespmem:s22+$0x6000];
	v11 =	vadd.f32 $1.000000000e+00, v11;
	v7 =	vadd.f32 $-1.455194830e+00, v7  }
0x7f: {  	s21 =	sor.u32 s31, s21;
	v8 =	vadd.f32 v3, v8;
	v3 =	vmax.f32 v5, $0.0e+00;
	v5 =	vmul.f32 $1.442695020e+00, v12  }
0x80: {  	v9 =	vadd.f32 v9, v3;
	v3 =	vld [tilespmem:s21+$0x4000];
	v14 =	vmul.f32 $-5.545931310e-02, v11;
	v7 =	vmul.f32 v7, v15  }
0x81: {  	v10 =	vadd.f32 v60, v10  }
0x82: {  	v9 =	vnsel vm12, $0x0, v9;
	v12 =	vadd.f32 $4.405027330e-01, v14;
	v7 =	vadd.f32 $2.806980610e+00, v7  }
0x83: {  	v8 =	vadd.f32 v9, v8;
	(erf) = vpow2.f32 v5;
	vm13 =	veq.s32 v13, $0x1  }
0x84: {  	s26 =	simm.s32 $0x50;
	s29 =	simm.s32 $0x280;
	s30 =	simm.s32 $0x50;
	v5 =	vpop (erf);
	v9 =	vmul.f32 v12, v11;
	v12 =	vsub.f32 $0.0e+00, v4;
	v7 =	vmul.f32 v7, v15  }
0x85: {  	s24 =	sand.u32 $0xC00, s29;
	s25 =	sand.u32 $0x1000, s30;
	s22 =	sand.u32 $0x70, s26;
	v13 =	vsel vm12, $0x3F800000, v0;
	v14 =	vand.u32 $0x7FFFFFFF, v3;
	v5 =	vadd.f32 $1.000000000e+00, v5  }
0x86: {  	s31 =	simm.s32 $0x14;
	s22 =	sor.u32 s24, s22;
	v15 =	vld [tilespmem:s23+$0x6000];
	v12 =	vsel vm13, v12, v4;
	v9 =	vadd.f32 $-1.455194830e+00, v9;
	v7 =	vadd.f32 $-1.736759780e+00, v7  }
0x87: {  	s29 =	sand.u32 $0x380, s31;
	s22 =	sor.u32 s25, s22;
	v14 =	vsub.f32 $0.0e+00, v14;
	v62 =	vmul.f32 $-5.545931310e-02, v5;
	v61 =	vmax.f32 v12, $0.0e+00  }
0x88: {  	s22 =	sor.u32 s29, s22;
	vm14 =	vge.f32 v12, $-8.472978470e-01;
	v7 =	vadd.f32 v7, v61;
	v63 =	vmul.f32 v9, v11  }
0x89: {  	v4 =	vld [tilespmem:s22+$0x4000];
	v9 =	vadd.f32 v13, v10;
	v10 =	vmul.f32 $1.442695020e+00, v14;
	v12 =	vadd.f32 $4.405027330e-01, v62  }
0x8a: {  	v14 =	vsub.f32 $0.0e+00, v6;
	v13 =	vadd.f32 $2.806980610e+00, v63  }
0x8b: {  	s30 =	simm.s32 $0x60;
	s24 =	simm.s32 $0x300;
	s23 =	simm.s32 $0x60;
	vm15 =	veq.s32 v15, $0x1;
	v7 =	vnsel vm14, $0x0, v7;
	(erf) = vpow2.f32 v10  }
0x8c: {  	s31 =	simm.s32 $0x18;
	s28 =	sand.u32 $0xC00, s24;
	s25 =	sand.u32 $0x70, s23;
	v12 =	vmul.f32 v12, v5;
	v7 =	vadd.f32 v7, v8;
	v8 =	vpop (erf);
	v11 =	vmul.f32 v13, v11  }
0x8d: {  	s26 =	sand.u32 $0x380, s31;
	s29 =	sand.u32 $0x1000, s30;
	s25 =	sor.u32 s28, s25;
	v10 =	vsel vm14, $0x3F800000, v0;
	v6 =	vsel vm15, v14, v6;
	v8 =	vadd.f32 $1.000000000e+00, v8  }
0x8e: {  	s28 =	sor.u32 s29, s25;
	s25 =	simm.s32 $0x7;
	v13 =	vand.u32 $0x7FFFFFFF, v4;
	v12 =	vadd.f32 $-1.455194830e+00, v12;
	v11 =	vadd.f32 $-1.736759780e+00, v11  }
.LBB2_4:
0x8f: {  	p0 =	sne.s32 s25, $0x1FF;
	s26 =	sor.u32 s26, s28;
	v13 =	vsub.f32 $0.0e+00, v13;
	v14 =	vld [tilespmem:s19+$0x6000];
	v15 =	vmax.f32 v6, $0.0e+00;
	v9 =	vadd.f32 v10, v9;
	v16 =	vmovc v3;
	v3 =	vmovc v4;
	s19 =	smov.u32 s20  }
0x90: {  	v10 =	vmul.f32 $-5.545931310e-02, v8;
	s20 =	smov.u32 s21;
	s21 =	smov.u32 s22;
	v4 =	vld [tilespmem:s26+$0x4000];
	v12 =	vmul.f32 v12, v5;
	v11 =	vadd.f32 v11, v15;
	s22 =	smov.u32 s26  }
0x91: {  	vm0 =	vge.f32 v6, $-8.472978470e-01;
	v13 =	vmul.f32 $1.442695020e+00, v13  }
.Ltmp1:
0x92: {  	v6 =	vadd.f32 $4.405027330e-01, v10;
	v12 =	vadd.f32 $2.806980610e+00, v12;
	v10 =	vnsel vm0, $0x0, v11;
	(pc) =	sbr.rel @p0 .LBB2_4-.Ltmp1, $4  }
0x93: {  	s23 =	sadd.s32 $0x10, s23;
	s24 =	sadd.s32 $0x80, s24;
	(erf) = vpow2.f32 v13;
	v7 =	vadd.f32 v10, v7;
	v10 =	vsel vm0, $0x3F800000, v0  }
0x94: {  	s28 =	sshll.u32 s25, $0x4;
	s26 =	sand.u32 $0x70, s23;
	s29 =	sand.u32 $0xC00, s24;
	v15 =	vsub.f32 $0.0e+00, v2;
	v6 =	vmul.f32 v6, v8;
	v11 =	vpop (erf);
	v17 =	vmul.f32 v12, v5  }
0x95: {  	s30 =	sshll.u32 s25, $0x2;
	s28 =	sand.u32 $0x1000, s28;
	s29 =	sor.u32 s29, s26;
	vm0 =	veq.s32 v14, $0x1;
	v5 =	vmovc v8;
	v13 =	vand.u32 $0x7FFFFFFF, v4;
	v8 =	vadd.f32 $1.000000000e+00, v11  }
0x96: {  	s25 =	sadd.s32 $0x1, s25;
	s26 =	sand.u32 $0x380, s30;
	s28 =	sor.u32 s28, s29;
	v12 =	vadd.f32 $-1.455194830e+00, v6;
	v6 =	vsel vm0, v15, v2;
	v2 =	vmovc v1;
	v1 =	vmovc v16;
	v11 =	vadd.f32 $-1.736759780e+00, v17  }
0x97: {  	s23 =	sor.u32 s26, s28  }
0x98: {  	v14 =	vld [tilespmem:s23+$0x4000];
	_ =	sdelay $0x3  }
0x99: {  	v13 =	vsub.f32 $0.0e+00, v13  }
0x9a: {  	v15 =	vand.u32 $0x7FFFFFFF, v14  }
0x9b: {  	v13 =	vmul.f32 $1.442695020e+00, v13;
	v15 =	vsub.f32 $0.0e+00, v15  }
0x9c: {  	v16 =	vmul.f32 $-5.545931310e-02, v8  }
0x9d: {  	(erf) = vpow2.f32 v13;
	v15 =	vmul.f32 $1.442695020e+00, v15  }
0x9e: {  	v31 =	vmax.f32 v6, $0.0e+00;
	v9 =	vadd.f32 v10, v9;
	v16 =	vadd.f32 $4.405027330e-01, v16  }
0x9f: {  	v30 =	vld [tilespmem:s19+$0x6000];
	vm0 =	vge.f32 v6, $-8.472978470e-01;
	v35 =	vsub.f32 $0.0e+00, v2;
	(erf) = vpow2.f32 v15  }
0xa0: {  	v43 =	vsub.f32 $0.0e+00, v1;
	v53 =	vsub.f32 $0.0e+00, v3;
	v33 =	vmul.f32 v16, v8  }
0xa1: {  	v38 =	vld [tilespmem:s20+$0x6000];
	v12 =	vmul.f32 v12, v5;
	v32 =	vadd.f32 v11, v31;
	v40 =	vsel vm0, $0x3F800000, v0  }
0xa2: {  	v9 =	vadd.f32 v40, v9;
	v34 =	vpop (erf);
	v11 =	vadd.f32 $-1.455194830e+00, v33  }
0xa3: {  	v50 =	vld [tilespmem:s21+$0x6000];
	v12 =	vadd.f32 $2.806980610e+00, v12;
	v10 =	vnsel vm0, $0x0, v32;
	v37 =	vadd.f32 $1.000000000e+00, v34  }
0xa4: {  	v7 =	vadd.f32 v10, v7;
	vm1 =	veq.s32 v30, $0x1;
	v11 =	vmul.f32 v11, v8  }
0xa5: {  	v54 =	vld [tilespmem:s22+$0x6000];
	v36 =	vmul.f32 v12, v5;
	v2 =	vsel vm1, v35, v2;
	v15 =	vmul.f32 $-5.545931310e-02, v37  }
0xa6: {  	vm8 =	veq.s32 v38, $0x1;
	v39 =	vmax.f32 v2, $0.0e+00;
	v11 =	vadd.f32 $2.806980610e+00, v11;
	v41 =	vpop (erf)  }
0xa7: {  	vm7 =	vge.f32 v2, $-8.472978470e-01;
	v2 =	vadd.f32 $4.405027330e-01, v15;
	v42 =	vadd.f32 $1.000000000e+00, v41  }
0xa8: {  	vm10 =	veq.s32 v50, $0x1;
	v5 =	vadd.f32 $-1.736759780e+00, v36;
	v44 =	vmul.f32 v11, v8;
	v45 =	vpop (erf)  }
0xa9: {  	v2 =	vmul.f32 v2, v37;
	v46 =	vmul.f32 $-5.545931310e-02, v42;
	v11 =	vadd.f32 $1.000000000e+00, v45  }
0xaa: {  	vm12 =	veq.s32 v54, $0x1;
	v1 =	vsel vm8, v43, v1;
	v5 =	vadd.f32 v5, v39  }
0xab: {  	v2 =	vadd.f32 $-1.455194830e+00, v2;
	v6 =	vadd.f32 $4.405027330e-01, v46;
	v48 =	vmul.f32 $-5.545931310e-02, v11  }
0xac: {  	v51 =	vmax.f32 v1, $0.0e+00;
	v5 =	vnsel vm7, $0x0, v5;
	v47 =	vadd.f32 $-1.736759780e+00, v44  }
0xad: {  	v56 =	vld [tilespmem:s23+$0x6000];
	v2 =	vmul.f32 v2, v37;
	v6 =	vmul.f32 v6, v42;
	v8 =	vadd.f32 $4.405027330e-01, v48  }
0xae: {  	vm9 =	vge.f32 v1, $-8.472978470e-01;
	v5 =	vadd.f32 v5, v7;
	v7 =	vadd.f32 v47, v51  }
0xaf: {  	v1 =	vadd.f32 $2.806980610e+00, v2;
	v6 =	vadd.f32 $-1.455194830e+00, v6;
	v52 =	vmul.f32 v8, v11  }
0xb0: {  	v3 =	vsel vm10, v53, v3;
	v61 =	vsub.f32 $0.0e+00, v14;
	v2 =	vnsel vm9, $0x0, v7  }
0xb1: {  	v1 =	vmul.f32 v1, v37;
	v6 =	vmul.f32 v6, v42;
	v7 =	vadd.f32 $-1.455194830e+00, v52  }
0xb2: {  	vm13 =	veq.s32 v56, $0x1;
	vm11 =	vge.f32 v3, $-8.472978470e-01;
	v49 =	vsel vm7, $0x3F800000, v0  }
0xb3: {  	v1 =	vadd.f32 $-1.736759780e+00, v1;
	v6 =	vadd.f32 $2.806980610e+00, v6;
	v7 =	vmul.f32 v7, v11  }
0xb4: {  	v2 =	vadd.f32 v2, v5;
	v5 =	vmax.f32 v3, $0.0e+00;
	v3 =	vsub.f32 $0.0e+00, v4  }
0xb5: {  	v1 =	vadd.f32 v1, v5;
	v57 =	vmul.f32 v6, v42;
	v58 =	vadd.f32 $2.806980610e+00, v7  }
0xb6: {  	v55 =	vsel vm9, $0x3F800000, v0;
	v9 =	vadd.f32 v49, v9;
	v3 =	vsel vm12, v3, v4  }
0xb7: {  	v1 =	vnsel vm11, $0x0, v1;
	v60 =	vadd.f32 $-1.736759780e+00, v57;
	v6 =	vmul.f32 v58, v11  }
0xb8: {  	v59 =	vadd.f32 v55, v9;
	v1 =	vadd.f32 v1, v2;
	v2 =	vmax.f32 v3, $0.0e+00  }
0xb9: {  	v5 =	vsel vm13, v61, v14;
	v2 =	vadd.f32 v60, v2;
	v62 =	vadd.f32 $-1.736759780e+00, v6  }
0xba: {  	v63 =	vsel vm11, $0x3F800000, v0;
	vm14 =	vge.f32 v3, $-8.472978470e-01;
	v3 =	vmax.f32 v5, $0.0e+00  }
0xbb: {  	v2 =	vnsel vm14, $0x0, v2;
	v6 =	vadd.f32 v63, v59;
	v3 =	vadd.f32 v62, v3  }
0xbc: {  	vm15 =	vge.f32 v5, $-8.472978470e-01;
	v1 =	vadd.f32 v2, v1;
	v2 =	vsel vm14, $0x3F800000, v0  }
0xbd: {  	v2 =	vadd.f32 v2, v6;
	v3 =	vnsel vm15, $0x0, v3  }
0xbe: {  	v1 =	vadd.f32 v3, v1;
	v3 =	vsel vm15, $0x3F800000, v0  }
0xbf: {  	v2 =	vadd.f32 v3, v2  }
0xc0: {  	[tilespmem:$0x8000] =	vst v1  }
0xc1: {  	[tilespmem:$0x8080] =	vst v2  }
0xc2: {  	[hbm4b:s6+s2] =	stream.linear.scatter [tilespmem:s15], [sflag:$0x3], $0x80, $0x38;
	[tilespmem:$0x8100] =	vst v63  }
0xc3: {  	s18 =	sadd.s32 $0x1, s18;
	_ =	swait.ge [sflag:s16], $0x80  }
0xc4: {  	p0 =	sne.s32 s18, s9;
	[sflag:s16] =	ssyncset.done $0x0  }
.Ltmp2:
0xc5: {  	[sflag:s16] =	ssyncadd.s32 $0xFFFFFF80;
	(pc) =	sbr.rel @p0 .LBB2_1-.Ltmp2, $4  }
0xc6: {  	[hbm4b:s8+s2] =	stream.linear.scatter [tilespmem:s17], [sflag:$0x3], $0x80, $0x38;
	[tilespmem:$0x8100] =	vst v63  }
0xc7: {  	_ =	swait.ge [sflag:s16], $0x80  }
0xc8: {  	[sflag:s16] =	ssyncset.done $0x0  }
0xc9: {  	[sflag:s16] =	ssyncadd.s32 $0xFFFFFF80  }
0xca: {  	_ =	sfence.sel $0x180000  }
0xcb: {  	[bflag:$0x0] =	sbarrier.arrive $0xFFFF  }
0xcc: {  	p0 =	sne.s32 s0, $0x0;
	_ =	strace $0x90000047  }
0xcd: {  	s0 =	sadd.s32 @!p0 $0x100000, s1;
	[bflag:$0x2] =	sbarrier.arrive $0xFFFF  }
0xce: {  	[sflag:s0] =	ssyncadd.tile.s32 @!p0 $0x1;
	_ =	shalt  }
.Lfunc_end2:
_tile_overlayer_lowered:
.L_overlay_start_2:
0xcf: {  	(tag) =	ssettag $0x2  }
0xd0: {  	s0 =	rddreg [dreg:$0x0];
	s2 =	stileid.u32  }
0xd1: {  	s1 =	rddreg [dreg:$0x1];
	p0 =	sne.s32 s2, $0x0  }
0xd2: {  	s3 =	rddreg [dreg:$0x2];
	[bflag:$0x3] =	sbarrier.arrive $0xFFFF;
	s2 =	simm.s32 @!p0 $0x1C03  }
0xd3: {  	[timem:s3], [sflag:s2] =	dma.local @!p0 [hbm:s0], s1  }
0xd4: {  	s0 =	simm.s32 @!p0 $0x3  }
0xd5: {  	_ =	swait.ge @!p0 [sflag:s0], s1  }
0xd6: {  	s1 =	ssub.s32 @!p0 $0x0, s1;
	[sflag:s0] =	ssyncset.done @!p0 $0x0  }
0xd7: {  	[sflag:s0] =	ssyncadd.s32 @!p0 s1  }
0xd8: {  	[bflag:$0x3] =	sbarrier.arrive $0xFFFF  }
0xd9: {  	_ =	shalt  }

</sc_bundles>
